<compile_context>
chip_gen: v7x
topology: tpu7x:2x2x1
jax: 0.10.2.dev20260603
libtpu: 0.0.44.dev20260713+nightly
codegen_flags: <defaults>
</compile_context>

<pallas_src>
import jax
import jax.numpy as jnp
import numpy as np
from jax import lax
from jax.experimental import pallas as pl
from jax.experimental.pallas import tpu as pltpu
from jax.experimental.pallas import tpu_sc as plsc

NC, NS, L = 2, 16, 16
NW = NC * NS
CHUNK = 128
CH0_FRAC = 88.0 / 157.0


def _chunk_off(cid, sid, ch0, ch1):
    return sid * (ch0 + ch1) + cid * ch0


def _spmm_mesh():
    return plsc.VectorSubcoreMesh(
        core_axis_name="c", subcore_axis_name="s",
        num_cores=NC, num_subcores=NS)


def _zero2d(ref, nrows):
    zero = jnp.zeros((L,), jnp.float32)

    def zb(i, carry):
        r = i // (128 // L)
        g = i - r * (128 // L)
        ref[r, pl.ds(g * L, L)] = zero
        return carry
    lax.fori_loop(0, nrows * (128 // L), zb, 0)


def _deg_body(n_pad, ch0, ch1, col_hbm, deg_out, cidx_v, deg_v):
    cid = lax.axis_index("c")
    sid = lax.axis_index("s")
    wid = sid * NC + cid
    chw = jnp.where(cid == 0, ch0, ch1)
    roff = _chunk_off(cid, sid, ch0, ch1)
    pltpu.sync_copy(col_hbm.at[pl.ds(roff, cidx_v.shape[0])], cidx_v)
    _zero2d(deg_v, n_pad // 128)
    ones = jnp.ones((L,), jnp.float32)
    seven = jnp.full((L,), 7, jnp.int32)
    low = jnp.full((L,), 127, jnp.int32)

    def chunk(j, carry):
        for g in range(CHUNK // L):
            cv = cidx_v[j, pl.ds(g * L, L)]
            plsc.addupdate_scatter(deg_v, [cv >> seven, cv & low], ones)
        return carry
    lax.fori_loop(0, chw, chunk, 0)
    pltpu.sync_copy(deg_v, deg_out.at[wid])


def _spmm1_body(n_pad, ch0, ch1,
                xws_lo_hbm, xws_hi_hbm, row_hbm, col_hbm, dinv_hbm, zeros_hbm,
                acc_lo_out, acc_hi_out, t_out,
                ridx_v, cidx_v, dinv_v, t_v, rows_v, acc_s, sem):
    cid = lax.axis_index("c")
    sid = lax.axis_index("s")
    wid = sid * NC + cid
    chw = jnp.where(cid == 0, ch0, ch1)
    roff = _chunk_off(cid, sid, ch0, ch1)
    rpt = n_pad // NS
    my = pl.ds(sid * rpt, rpt)
    pltpu.sync_copy(row_hbm.at[pl.ds(roff, ridx_v.shape[0])], ridx_v)
    pltpu.sync_copy(col_hbm.at[pl.ds(roff, cidx_v.shape[0])], cidx_v)
    pltpu.sync_copy(dinv_hbm, dinv_v)
    _zero2d(t_v, n_pad // 128)
    seven = jnp.full((L,), 7, jnp.int32)
    low = jnp.full((L,), 127, jnp.int32)

    for p, (xws_hbm, acc_out) in enumerate(
            ((xws_lo_hbm, acc_lo_out), (xws_hi_hbm, acc_hi_out))):
        pltpu.sync_copy(zeros_hbm, acc_s.at[my])
        plsc.subcore_barrier()

        def chunk(j, carry):
            pltpu.async_copy(xws_hbm.at[ridx_v.at[j]], rows_v, sem).wait()
            pltpu.sync_copy(rows_v, acc_s.at[cidx_v.at[j]], add=True)
            if p == 0:
                for g in range(CHUNK // L):
                    rv = ridx_v[j, pl.ds(g * L, L)]
                    cv = cidx_v[j, pl.ds(g * L, L)]
                    dvals = plsc.load_gather(dinv_v, [rv >> seven, rv & low])
                    plsc.addupdate_scatter(t_v, [cv >> seven, cv & low],
                                           dvals)
            return carry
        lax.fori_loop(0, chw, chunk, 0)
        plsc.subcore_barrier()
        pltpu.sync_copy(acc_s.at[my], acc_out.at[cid, my])
    pltpu.sync_copy(t_v, t_out.at[wid])


def _spmm2_body(n_pad, ch0, ch1,
                us_hbm, row_hbm, col_hbm, o_out,
                us_v, ridx_v, cidx_v, o0_v, o1_v):
    cid = lax.axis_index("c")
    sid = lax.axis_index("s")
    wid = sid * NC + cid
    chw = jnp.where(cid == 0, ch0, ch1)
    roff = _chunk_off(cid, sid, ch0, ch1)
    pltpu.sync_copy(us_hbm, us_v)
    pltpu.sync_copy(row_hbm.at[pl.ds(roff, ridx_v.shape[0])], ridx_v)
    pltpu.sync_copy(col_hbm.at[pl.ds(roff, cidx_v.shape[0])], cidx_v)
    _zero2d(o0_v, n_pad // 128)
    _zero2d(o1_v, n_pad // 128)

    two = jnp.full((L,), 2, jnp.int32)
    one = jnp.full((L,), 1, jnp.int32)
    seven = jnp.full((L,), 7, jnp.int32)
    low = jnp.full((L,), 127, jnp.int32)

    def chunk(j, carry):
        for g in range(CHUNK // L):
            rv = ridx_v[j, pl.ds(g * L, L)]
            cv = cidx_v[j, pl.ds(g * L, L)]
            i0 = rv * two
            v0 = plsc.load_gather(us_v, [i0])
            v1 = plsc.load_gather(us_v, [i0 + one])
            chi = cv >> seven
            clo = cv & low
            plsc.addupdate_scatter(o0_v, [chi, clo], v0)
            plsc.addupdate_scatter(o1_v, [chi, clo], v1)
        return carry
    lax.fori_loop(0, chw, chunk, 0)
    pltpu.sync_copy(o0_v, o_out.at[wid, 0])
    pltpu.sync_copy(o1_v, o_out.at[wid, 1])


def _dinv_body(degp_ref, dinv_ref):
    deg = jnp.sum(degp_ref[...], axis=0)
    dinv_ref[...] = jnp.where(deg > 0, lax.rsqrt(deg), 0.0)


def _xws_body(n_real, x_ref, dinvc_ref, w1a_ref, w1b_ref,
              xws_lo_ref, xws_hi_ref, c_ref, sum_ref):
    i = pl.program_id(0)
    xb = x_ref[...]
    xw = jnp.dot(xb, w1a_ref[...], preferred_element_type=jnp.float32)
    xws = dinvc_ref[...] * xw
    half = xws.shape[1] // 2
    xws_lo_ref[...] = xws[:, :half]
    xws_hi_ref[...] = xws[:, half:]
    s = jnp.sum(xb, axis=0, keepdims=True)

    @pl.when(i == 0)
    def _():
        sum_ref[...] = s

    @pl.when(i > 0)
    def _():
        sum_ref[...] = sum_ref[...] + s

    @pl.when(i == pl.num_programs(0) - 1)
    def _():
        c_ref[...] = jnp.dot(sum_ref[...] * (1.0 / n_real), w1b_ref[...],
                             preferred_element_type=jnp.float32)


def _dt_body(tp_ref, dinv_ref, dt_ref):
    dt_ref[...] = dinv_ref[...] * jnp.sum(tp_ref[...], axis=0)


def _h1_body(alo0_ref, alo1_ref, ahi0_ref, ahi1_ref, dinvc_ref, dtc_ref,
             c_ref, b1_ref, w2a_ref, w2b_ref, us_ref):
    d = dinvc_ref[...]
    dtc = dtc_ref[...]
    cv = c_ref[...]
    b1v = b1_ref[...]
    half = cv.shape[1] // 2
    h1_lo = jnp.maximum(
        d * (alo0_ref[...] + alo1_ref[...]) + dtc * cv[:, :half]
        + b1v[:, :half], 0.0)
    h1_hi = jnp.maximum(
        d * (ahi0_ref[...] + ahi1_ref[...]) + dtc * cv[:, half:]
        + b1v[:, half:], 0.0)
    u = (jnp.dot(h1_lo, w2a_ref[...], preferred_element_type=jnp.float32)
         + jnp.dot(h1_hi, w2b_ref[...], preferred_element_type=jnp.float32))
    us_ref[...] = d * u


def _final_body(op_ref, dinv_ref, b2b_ref, out_ref):
    s = jnp.sum(op_ref[...], axis=0)
    d = dinv_ref[...]
    out_ref[...] = d[None] * s + b2b_ref[...]


def kernel(x, edge_index, W1, b1, W2, b2):
    n, f = x.shape
    hid = W1.shape[1]
    e = edge_index.shape[1]

    n_pad = ((n + 1 + 255) // 256) * 256
    rb = 2048
    nrows = n_pad // 128

    ch_sum = -(-e // (NS * CHUNK))
    ch0 = int(round(ch_sum * CH0_FRAC))
    ch1 = ch_sum - ch0
    ch_max = max(ch0, ch1)
    tot_rows = NS * (ch0 + ch1) + ch_max
    npad_e = tot_rows * CHUNK - e

    def _layout(v):
        return jnp.concatenate(
            [v, jnp.full((npad_e,), n, jnp.int32)]).reshape(tot_rows, CHUNK)

    row_w = _layout(edge_index[0].astype(jnp.int32))
    col_w = _layout(edge_index[1].astype(jnp.int32))
    x_pad = jnp.concatenate([x, jnp.zeros((n_pad - n, f), x.dtype)])
    W1a, W1b = W1[:f], W1[f:]
    half = hid // 2
    W2a, W2b = W2[:half], W2[half:]
    zeros_blk = jnp.zeros((n_pad // NS, half), jnp.float32)

    mesh = _spmm_mesh()
    sc_params = pltpu.CompilerParams(needs_layout_passes=False,
                                     use_tc_tiling_on_sc=False)

    deg_part = pl.kernel(
        lambda *a: _deg_body(n_pad, ch0, ch1, *a),
        out_type=jax.ShapeDtypeStruct((NW, nrows, 128), jnp.float32),
        mesh=mesh,
        scratch_types=[pltpu.VMEM((ch_max, CHUNK), jnp.int32),
                       pltpu.VMEM((nrows, 128), jnp.float32)],
        compiler_params=sc_params,
    )(col_w)

    dinv = pl.pallas_call(
        _dinv_body,
        out_shape=jax.ShapeDtypeStruct((nrows, 128), jnp.float32),
    )(deg_part)
    dinv_col = dinv.reshape(n_pad, 1)

    xws_lo, xws_hi, c = pl.pallas_call(
        lambda *a: _xws_body(float(n), *a),
        grid=(n_pad // rb,),
        in_specs=[pl.BlockSpec((rb, f), lambda i: (i, 0)),
                  pl.BlockSpec((rb, 1), lambda i: (i, 0)),
                  pl.BlockSpec((f, hid), lambda i: (0, 0)),
                  pl.BlockSpec((f, hid), lambda i: (0, 0))],
        out_specs=[pl.BlockSpec((rb, half), lambda i: (i, 0)),
                   pl.BlockSpec((rb, half), lambda i: (i, 0)),
                   pl.BlockSpec((1, hid), lambda i: (0, 0))],
        out_shape=[jax.ShapeDtypeStruct((n_pad, half), jnp.float32),
                   jax.ShapeDtypeStruct((n_pad, half), jnp.float32),
                   jax.ShapeDtypeStruct((1, hid), jnp.float32)],
        scratch_shapes=[pltpu.VMEM((1, f), jnp.float32)],
    )(x_pad, dinv_col, W1a, W1b)

    acc_lo, acc_hi, t_part = pl.kernel(
        lambda *a: _spmm1_body(n_pad, ch0, ch1, *a),
        out_type=(jax.ShapeDtypeStruct((NC, n_pad, half), jnp.float32),
                  jax.ShapeDtypeStruct((NC, n_pad, half), jnp.float32),
                  jax.ShapeDtypeStruct((NW, nrows, 128), jnp.float32)),
        mesh=mesh,
        scratch_types=[pltpu.VMEM((ch_max, CHUNK), jnp.int32),
                       pltpu.VMEM((ch_max, CHUNK), jnp.int32),
                       pltpu.VMEM((nrows, 128), jnp.float32),
                       pltpu.VMEM((nrows, 128), jnp.float32),
                       pltpu.VMEM((CHUNK, half), jnp.float32),
                       pltpu.VMEM_SHARED((n_pad, half), jnp.float32),
                       pltpu.SemaphoreType.DMA],
        compiler_params=sc_params,
    )(xws_lo, xws_hi, row_w, col_w, dinv, zeros_blk)

    dt = pl.pallas_call(
        _dt_body,
        out_shape=jax.ShapeDtypeStruct((nrows, 128), jnp.float32),
    )(t_part, dinv)

    us = pl.pallas_call(
        _h1_body,
        grid=(n_pad // rb,),
        in_specs=[pl.BlockSpec((rb, half), lambda i: (i, 0)),
                  pl.BlockSpec((rb, half), lambda i: (i, 0)),
                  pl.BlockSpec((rb, half), lambda i: (i, 0)),
                  pl.BlockSpec((rb, half), lambda i: (i, 0)),
                  pl.BlockSpec((rb, 1), lambda i: (i, 0)),
                  pl.BlockSpec((rb, 1), lambda i: (i, 0)),
                  pl.BlockSpec((1, hid), lambda i: (0, 0)),
                  pl.BlockSpec((1, hid), lambda i: (0, 0)),
                  pl.BlockSpec((half, 2), lambda i: (0, 0)),
                  pl.BlockSpec((half, 2), lambda i: (0, 0))],
        out_specs=pl.BlockSpec((rb, 2), lambda i: (i, 0)),
        out_shape=jax.ShapeDtypeStruct((n_pad, 2), jnp.float32),
    )(acc_lo[0], acc_lo[1], acc_hi[0], acc_hi[1], dinv_col,
      dt.reshape(n_pad, 1), c, b1.reshape(1, hid), W2a, W2b)

    o_part = pl.kernel(
        lambda *a: _spmm2_body(n_pad, ch0, ch1, *a),
        out_type=jax.ShapeDtypeStruct((NW, 2, nrows, 128), jnp.float32),
        mesh=mesh,
        scratch_types=[pltpu.VMEM((2 * n_pad,), jnp.float32),
                       pltpu.VMEM((ch_max, CHUNK), jnp.int32),
                       pltpu.VMEM((ch_max, CHUNK), jnp.int32),
                       pltpu.VMEM((nrows, 128), jnp.float32),
                       pltpu.VMEM((nrows, 128), jnp.float32)],
        compiler_params=sc_params,
    )(us.reshape(2 * n_pad), row_w, col_w)

    b2b = jnp.broadcast_to(b2.reshape(2, 1, 1), (2, nrows, 128))
    out2 = pl.pallas_call(
        _final_body,
        out_shape=jax.ShapeDtypeStruct((2, nrows, 128), jnp.float32),
    )(o_part, dinv, b2b)

    return out2.reshape(2, n_pad)[:, :n].T

# --- scband reference (transcript-rebuilt; emitter-appended) ---
"""Pipeline reference for scband-sign-denoising-72146860638719 (READ-ONLY COPY).

The authoritative reference and input builder live on the scoring server;
editing this copy changes nothing except your own understanding.
"""

import jax, jax.numpy as jnp
import numpy as np

N_NODES = 10000
D_FEAT = 128
HIDDEN = 128
N_EDGES = 320000


def _gcn_conv(x, edge_index, W, b, num_nodes):
    # PyG GCNConv with add_self_loops=False, normalize=True
    row = edge_index[0]
    col = edge_index[1]
    h = x @ W  # linear transform (no bias in lin)
    ones = jnp.ones((edge_index.shape[1],), dtype=x.dtype)
    deg = jax.ops.segment_sum(ones, col, num_segments=num_nodes)
    deg_inv_sqrt = jnp.where(deg > 0, deg ** -0.5, 0.0)
    norm = deg_inv_sqrt[row] * deg_inv_sqrt[col]
    msgs = h[row] * norm[:, None]
    out = jax.ops.segment_sum(msgs, col, num_segments=num_nodes)
    return out + b


def setup_inputs(seed: int = 0) -> dict:
    key = jax.random.key(seed)
    k1, k2, k3, k4, k5, k6 = jax.random.split(key, 6)
    x = jax.random.normal(k1, (N_NODES, D_FEAT), dtype=jnp.float32)
    edge_index = jax.random.randint(k2, (2, N_EDGES), 0, N_NODES, dtype=jnp.int64)
    # GCNConv weights: conv1 maps num_features*2 -> hidden, conv2 maps hidden -> 2
    W1 = jax.random.normal(k3, (D_FEAT * 2, HIDDEN), dtype=jnp.float32) * (1.0 / np.sqrt(D_FEAT * 2))
    b1 = jnp.zeros((HIDDEN,), dtype=jnp.float32)
    W2 = jax.random.normal(k4, (HIDDEN, 2), dtype=jnp.float32) * (1.0 / np.sqrt(HIDDEN))
    b2 = jnp.zeros((2,), dtype=jnp.float32)
    return {"x": x, "edge_index": edge_index, "W1": W1, "b1": b1, "W2": W2, "b2": b2}


def reference(x, edge_index, W1, b1, W2, b2):
    num_nodes = x.shape[0]
    # global mean pooling over all nodes (MeanAggregation with no index)
    neighbour_information = jnp.mean(x, axis=0, keepdims=True)  # [1, F]
    # concatenate global context with per-node features -> [N, 2F]
    complete_information = jnp.concatenate(
        [x, jnp.broadcast_to(neighbour_information, x.shape)], axis=1
    )
    h = _gcn_conv(complete_information, edge_index, W1, b1, num_nodes)
    h = jax.nn.relu(h)
    out = _gcn_conv(h, edge_index, W2, b2, num_nodes)
    return out

if __name__ == "__main__":
    import jax
    _d = setup_inputs()
    print(jax.jit(kernel)(*tuple(_d.values())))

</pallas_src>

<mosaic_0001>
#map = affine_map<(d0, d1) -> (0, 0)>
#map1 = affine_map<(d0, d1) -> (0, 0, 0)>
module attributes {stable_mosaic.version = 14 : i64} {
  func.func @_lambda_(%arg0: i32, %arg1: i32, %arg2: memref<2600x128xi32, #tpu.memory_space<hbm>>, %arg3: memref<32x80x128xf32, #tpu.memory_space<hbm>>, %arg4: memref<88x128xi32, #tpu.memory_space<vmem>>, %arg5: memref<80x128xf32, #tpu.memory_space<vmem>>) attributes {dimension_semantics = [#tpu.dimension_semantics<core_parallel>, #tpu.dimension_semantics<subcore_parallel>], iteration_bounds = array<i64: 2, 16>, scalar_prefetch = 0 : i64, scratch_operands = 2 : i64, tpu.core_type = #tpu.core_type<sc_vector_subcore>, window_params = [{transform_indices = #map}, {transform_indices = #map1}]} {
    %mul3A = arith.constant 2 : i32
    %mul3A_0 = arith.muli %arg1, %mul3A : i32
    %add3A = arith.addi %mul3A_0, %arg0 : i32
    %eq3A = arith.constant 0 : i32
    %eq3A_1 = arith.cmpi eq, %arg0, %eq3A : i32
    %jit3A = arith.constant 88 : i32
    %jit3A_2 = arith.constant 69 : i32
    %select_n3A = arith.select %eq3A_1, %jit3A, %jit3A_2 : i32
    %mul3A_3 = arith.constant 157 : i32
    %mul3A_4 = arith.muli %arg1, %mul3A_3 : i32
    %mul3A_5 = arith.constant 88 : i32
    %mul3A_6 = arith.muli %arg0, %mul3A_5 : i32
    %add3A_7 = arith.addi %mul3A_4, %mul3A_6 : i32
    "tpu.region"() ({
      %run_scoped3A = tpu.sem_alloc : memref<!tpu.dma_semaphore, #tpu.memory_space<semaphore_mem>>
      %dma_start3A = arith.constant 0 : i32
      %dma_start3A_29 = tpu.memref_slice %arg2[%add3A_7, %dma_start3A] : memref<2600x128xi32, #tpu.memory_space<hbm>> -> memref<88x128xi32, #tpu.memory_space<hbm>>
      %dma_start3A_30 = arith.constant 0 : i32
      %dma_start3A_31 = tpu.memref_slice %arg2[%add3A_7, %dma_start3A_30] : memref<2600x128xi32, #tpu.memory_space<hbm>> -> memref<88x128xi32, #tpu.memory_space<hbm>>
      tpu.enqueue_dma source(%dma_start3A_31 : memref<88x128xi32, #tpu.memory_space<hbm>>) target(%arg4 : memref<88x128xi32, #tpu.memory_space<vmem>>) target_semaphore(%run_scoped3A : memref<!tpu.dma_semaphore, #tpu.memory_space<semaphore_mem>>)
      %dma_wait3A = arith.constant 0 : i32
      %dma_wait3A_32 = tpu.memref_slice %arg2[%add3A_7, %dma_wait3A] : memref<2600x128xi32, #tpu.memory_space<hbm>> -> memref<88x128xi32, #tpu.memory_space<hbm>>
      %dma_wait3A_33 = arith.constant 0 : i32
      %dma_wait3A_34 = tpu.memref_slice %arg2[%add3A_7, %dma_wait3A_33] : memref<2600x128xi32, #tpu.memory_space<hbm>> -> memref<88x128xi32, #tpu.memory_space<hbm>>
      tpu.wait_dma2 semaphore(%run_scoped3A : memref<!tpu.dma_semaphore, #tpu.memory_space<semaphore_mem>>) src(%dma_wait3A_34 : memref<88x128xi32, #tpu.memory_space<hbm>>) dst(%arg4 : memref<88x128xi32, #tpu.memory_space<vmem>>)
      tpu.yield
    }) : () -> ()
    %broadcast_in_dim3A = arith.constant 0.000000e+00 : f32
    %broadcast_in_dim3A_8 = vector.broadcast %broadcast_in_dim3A : f32 to vector<16xf32>
    %scan3A = arith.constant 0 : i32
    %scan3A_9 = arith.constant 0 : i32
    %scan3A_10 = arith.constant 640 : i32
    %scan3A_11 = arith.addi %scan3A_9, %scan3A_10 : i32
    %scan3A_12 = arith.constant 1 : i32
    scf.for %scan3A_29 = %scan3A_9 to %scan3A_11 step %scan3A_12  : i32 {
      %jit3A_30 = arith.constant 8 : i32
      %div3A = arith.divsi %scan3A_29, %jit3A_30 : i32
      %sign3A = arith.constant 0 : i32
      %sign3A_31 = arith.cmpi sgt, %scan3A_29, %sign3A : i32
      %sign3A_32 = arith.extui %sign3A_31 : i1 to i32
      %sign3A_33 = arith.constant 0 : i32
      %sign3A_34 = arith.cmpi slt, %scan3A_29, %sign3A_33 : i32
      %sign3A_35 = arith.extui %sign3A_34 : i1 to i32
      %sign3A_36 = arith.subi %sign3A_32, %sign3A_35 : i32
      %sign3A_37 = arith.constant 0 : i32
      %sign3A_38 = arith.cmpi sgt, %jit3A_30, %sign3A_37 : i32
      %sign3A_39 = arith.extui %sign3A_38 : i1 to i32
      %sign3A_40 = arith.constant 0 : i32
      %sign3A_41 = arith.cmpi slt, %jit3A_30, %sign3A_40 : i32
      %sign3A_42 = arith.extui %sign3A_41 : i1 to i32
      %sign3A_43 = arith.subi %sign3A_39, %sign3A_42 : i32
      %ne3A = arith.cmpi ne, %sign3A_36, %sign3A_43 : i32
      %rem3A = arith.remsi %scan3A_29, %jit3A_30 : i32
      %ne3A_44 = arith.constant 0 : i32
      %ne3A_45 = arith.cmpi ne, %rem3A, %ne3A_44 : i32
      %and3A = arith.andi %ne3A, %ne3A_45 : i1
      %sub3A = arith.constant 1 : i32
      %sub3A_46 = arith.subi %div3A, %sub3A : i32
      %select_n3A_47 = arith.select %and3A, %sub3A_46, %div3A : i32
      %mul3A_48 = arith.constant 8 : i32
      %mul3A_49 = arith.muli %select_n3A_47, %mul3A_48 : i32
      %sub3A_50 = arith.subi %scan3A_29, %mul3A_49 : i32
      %mul3A_51 = arith.constant 16 : i32
      %mul3A_52 = arith.muli %sub3A_50, %mul3A_51 : i32
      %swap3A = arith.index_cast %select_n3A_47 : i32 to index
      %swap3A_53 = arith.index_cast %mul3A_52 : i32 to index
      %swap3A_54 = tpu.vector_load %arg5[%swap3A, %swap3A_53] {strides = array<i32>} : memref<80x128xf32, #tpu.memory_space<vmem>>, vector<16xf32>,
      tpu.vector_store %arg5[%swap3A, %swap3A_53], %broadcast_in_dim3A_8 {strides = array<i32>} : memref<80x128xf32, #tpu.memory_space<vmem>>, vector<16xf32>,
    }
    %scan3A_13 = arith.constant 640 : i32
    %broadcast_in_dim3A_14 = arith.constant 1.000000e+00 : f32
    %broadcast_in_dim3A_15 = vector.broadcast %broadcast_in_dim3A_14 : f32 to vector<16xf32>
    %broadcast_in_dim3A_16 = arith.constant 7 : i32
    %broadcast_in_dim3A_17 = vector.broadcast %broadcast_in_dim3A_16 : i32 to vector<16xi32>
    %broadcast_in_dim3A_18 = arith.constant 127 : i32
    %broadcast_in_dim3A_19 = vector.broadcast %broadcast_in_dim3A_18 : i32 to vector<16xi32>
    %while3A = arith.constant 0 : i32
    %while3A_20 = arith.constant 0 : i32
    %while3A_21 = arith.subi %select_n3A, %while3A_20 : i32
    %while3A_22 = arith.addi %while3A_20, %while3A_21 : i32
    %while3A_23 = arith.constant 1 : i32
    %while3A_24 = arith.divsi %while3A_21, %while3A_23 : i32
    %while3A_25 = arith.muli %while3A_24, %while3A_23 : i32
    %while3A_26 = arith.addi %while3A_20, %while3A_25 : i32
    %while3A_27 = arith.constant 1 : i32
    scf.for %while3A_29 = %while3A_20 to %while3A_26 step %while3A_27  : i32 {
      %get3A = arith.index_cast %while3A_29 : i32 to index
      %get3A_30 = arith.constant 0 : index
      %get3A_31 = tpu.vector_load %arg4[%get3A, %get3A_30] {strides = array<i32>} : memref<88x128xi32, #tpu.memory_space<vmem>>, vector<16xi32>,
      %shift_right_arithmetic3A = arith.shrsi %get3A_31, %broadcast_in_dim3A_17 : vector<16xi32>
      %and3A = arith.andi %get3A_31, %broadcast_in_dim3A_19 : vector<16xi32>
      tpu.vector_store_idx %arg5[%shift_right_arithmetic3A, %and3A], %broadcast_in_dim3A_15 {add = true} : memref<80x128xf32, #tpu.memory_space<vmem>>[vector<16xi32>, vector<16xi32>], vector<16xf32>,
      %get3A_32 = arith.index_cast %while3A_29 : i32 to index
      %get3A_33 = arith.constant 16 : index
      %get3A_34 = tpu.vector_load %arg4[%get3A_32, %get3A_33] {strides = array<i32>} : memref<88x128xi32, #tpu.memory_space<vmem>>, vector<16xi32>,
      %shift_right_arithmetic3A_35 = arith.shrsi %get3A_34, %broadcast_in_dim3A_17 : vector<16xi32>
      %and3A_36 = arith.andi %get3A_34, %broadcast_in_dim3A_19 : vector<16xi32>
      tpu.vector_store_idx %arg5[%shift_right_arithmetic3A_35, %and3A_36], %broadcast_in_dim3A_15 {add = true} : memref<80x128xf32, #tpu.memory_space<vmem>>[vector<16xi32>, vector<16xi32>], vector<16xf32>,
      %get3A_37 = arith.index_cast %while3A_29 : i32 to index
      %get3A_38 = arith.constant 32 : index
      %get3A_39 = tpu.vector_load %arg4[%get3A_37, %get3A_38] {strides = array<i32>} : memref<88x128xi32, #tpu.memory_space<vmem>>, vector<16xi32>,
      %shift_right_arithmetic3A_40 = arith.shrsi %get3A_39, %broadcast_in_dim3A_17 : vector<16xi32>
      %and3A_41 = arith.andi %get3A_39, %broadcast_in_dim3A_19 : vector<16xi32>
      tpu.vector_store_idx %arg5[%shift_right_arithmetic3A_40, %and3A_41], %broadcast_in_dim3A_15 {add = true} : memref<80x128xf32, #tpu.memory_space<vmem>>[vector<16xi32>, vector<16xi32>], vector<16xf32>,
      %get3A_42 = arith.index_cast %while3A_29 : i32 to index
      %get3A_43 = arith.constant 48 : index
      %get3A_44 = tpu.vector_load %arg4[%get3A_42, %get3A_43] {strides = array<i32>} : memref<88x128xi32, #tpu.memory_space<vmem>>, vector<16xi32>,
      %shift_right_arithmetic3A_45 = arith.shrsi %get3A_44, %broadcast_in_dim3A_17 : vector<16xi32>
      %and3A_46 = arith.andi %get3A_44, %broadcast_in_dim3A_19 : vector<16xi32>
      tpu.vector_store_idx %arg5[%shift_right_arithmetic3A_45, %and3A_46], %broadcast_in_dim3A_15 {add = true} : memref<80x128xf32, #tpu.memory_space<vmem>>[vector<16xi32>, vector<16xi32>], vector<16xf32>,
      %get3A_47 = arith.index_cast %while3A_29 : i32 to index
      %get3A_48 = arith.constant 64 : index
      %get3A_49 = tpu.vector_load %arg4[%get3A_47, %get3A_48] {strides = array<i32>} : memref<88x128xi32, #tpu.memory_space<vmem>>, vector<16xi32>,
      %shift_right_arithmetic3A_50 = arith.shrsi %get3A_49, %broadcast_in_dim3A_17 : vector<16xi32>
      %and3A_51 = arith.andi %get3A_49, %broadcast_in_dim3A_19 : vector<16xi32>
      tpu.vector_store_idx %arg5[%shift_right_arithmetic3A_50, %and3A_51], %broadcast_in_dim3A_15 {add = true} : memref<80x128xf32, #tpu.memory_space<vmem>>[vector<16xi32>, vector<16xi32>], vector<16xf32>,
      %get3A_52 = arith.index_cast %while3A_29 : i32 to index
      %get3A_53 = arith.constant 80 : index
      %get3A_54 = tpu.vector_load %arg4[%get3A_52, %get3A_53] {strides = array<i32>} : memref<88x128xi32, #tpu.memory_space<vmem>>, vector<16xi32>,
      %shift_right_arithmetic3A_55 = arith.shrsi %get3A_54, %broadcast_in_dim3A_17 : vector<16xi32>
      %and3A_56 = arith.andi %get3A_54, %broadcast_in_dim3A_19 : vector<16xi32>
      tpu.vector_store_idx %arg5[%shift_right_arithmetic3A_55, %and3A_56], %broadcast_in_dim3A_15 {add = true} : memref<80x128xf32, #tpu.memory_space<vmem>>[vector<16xi32>, vector<16xi32>], vector<16xf32>,
      %get3A_57 = arith.index_cast %while3A_29 : i32 to index
      %get3A_58 = arith.constant 96 : index
      %get3A_59 = tpu.vector_load %arg4[%get3A_57, %get3A_58] {strides = array<i32>} : memref<88x128xi32, #tpu.memory_space<vmem>>, vector<16xi32>,
      %shift_right_arithmetic3A_60 = arith.shrsi %get3A_59, %broadcast_in_dim3A_17 : vector<16xi32>
      %and3A_61 = arith.andi %get3A_59, %broadcast_in_dim3A_19 : vector<16xi32>
      tpu.vector_store_idx %arg5[%shift_right_arithmetic3A_60, %and3A_61], %broadcast_in_dim3A_15 {add = true} : memref<80x128xf32, #tpu.memory_space<vmem>>[vector<16xi32>, vector<16xi32>], vector<16xf32>,
      %get3A_62 = arith.index_cast %while3A_29 : i32 to index
      %get3A_63 = arith.constant 112 : index
      %get3A_64 = tpu.vector_load %arg4[%get3A_62, %get3A_63] {strides = array<i32>} : memref<88x128xi32, #tpu.memory_space<vmem>>, vector<16xi32>,
      %shift_right_arithmetic3A_65 = arith.shrsi %get3A_64, %broadcast_in_dim3A_17 : vector<16xi32>
      %and3A_66 = arith.andi %get3A_64, %broadcast_in_dim3A_19 : vector<16xi32>
      tpu.vector_store_idx %arg5[%shift_right_arithmetic3A_65, %and3A_66], %broadcast_in_dim3A_15 {add = true} : memref<80x128xf32, #tpu.memory_space<vmem>>[vector<16xi32>, vector<16xi32>], vector<16xf32>,
    }
    %while3A_28 = arith.constant 1 : i32
    scf.for %while3A_29 = %while3A_26 to %while3A_22 step %while3A_28  : i32 {
      %get3A = arith.index_cast %while3A_29 : i32 to index
      %get3A_30 = arith.constant 0 : index
      %get3A_31 = tpu.vector_load %arg4[%get3A, %get3A_30] {strides = array<i32>} : memref<88x128xi32, #tpu.memory_space<vmem>>, vector<16xi32>,
      %shift_right_arithmetic3A = arith.shrsi %get3A_31, %broadcast_in_dim3A_17 : vector<16xi32>
      %and3A = arith.andi %get3A_31, %broadcast_in_dim3A_19 : vector<16xi32>
      tpu.vector_store_idx %arg5[%shift_right_arithmetic3A, %and3A], %broadcast_in_dim3A_15 {add = true} : memref<80x128xf32, #tpu.memory_space<vmem>>[vector<16xi32>, vector<16xi32>], vector<16xf32>,
      %get3A_32 = arith.index_cast %while3A_29 : i32 to index
      %get3A_33 = arith.constant 16 : index
      %get3A_34 = tpu.vector_load %arg4[%get3A_32, %get3A_33] {strides = array<i32>} : memref<88x128xi32, #tpu.memory_space<vmem>>, vector<16xi32>,
      %shift_right_arithmetic3A_35 = arith.shrsi %get3A_34, %broadcast_in_dim3A_17 : vector<16xi32>
      %and3A_36 = arith.andi %get3A_34, %broadcast_in_dim3A_19 : vector<16xi32>
      tpu.vector_store_idx %arg5[%shift_right_arithmetic3A_35, %and3A_36], %broadcast_in_dim3A_15 {add = true} : memref<80x128xf32, #tpu.memory_space<vmem>>[vector<16xi32>, vector<16xi32>], vector<16xf32>,
      %get3A_37 = arith.index_cast %while3A_29 : i32 to index
      %get3A_38 = arith.constant 32 : index
      %get3A_39 = tpu.vector_load %arg4[%get3A_37, %get3A_38] {strides = array<i32>} : memref<88x128xi32, #tpu.memory_space<vmem>>, vector<16xi32>,
      %shift_right_arithmetic3A_40 = arith.shrsi %get3A_39, %broadcast_in_dim3A_17 : vector<16xi32>
      %and3A_41 = arith.andi %get3A_39, %broadcast_in_dim3A_19 : vector<16xi32>
      tpu.vector_store_idx %arg5[%shift_right_arithmetic3A_40, %and3A_41], %broadcast_in_dim3A_15 {add = true} : memref<80x128xf32, #tpu.memory_space<vmem>>[vector<16xi32>, vector<16xi32>], vector<16xf32>,
      %get3A_42 = arith.index_cast %while3A_29 : i32 to index
      %get3A_43 = arith.constant 48 : index
      %get3A_44 = tpu.vector_load %arg4[%get3A_42, %get3A_43] {strides = array<i32>} : memref<88x128xi32, #tpu.memory_space<vmem>>, vector<16xi32>,
      %shift_right_arithmetic3A_45 = arith.shrsi %get3A_44, %broadcast_in_dim3A_17 : vector<16xi32>
      %and3A_46 = arith.andi %get3A_44, %broadcast_in_dim3A_19 : vector<16xi32>
      tpu.vector_store_idx %arg5[%shift_right_arithmetic3A_45, %and3A_46], %broadcast_in_dim3A_15 {add = true} : memref<80x128xf32, #tpu.memory_space<vmem>>[vector<16xi32>, vector<16xi32>], vector<16xf32>,
      %get3A_47 = arith.index_cast %while3A_29 : i32 to index
      %get3A_48 = arith.constant 64 : index
      %get3A_49 = tpu.vector_load %arg4[%get3A_47, %get3A_48] {strides = array<i32>} : memref<88x128xi32, #tpu.memory_space<vmem>>, vector<16xi32>,
      %shift_right_arithmetic3A_50 = arith.shrsi %get3A_49, %broadcast_in_dim3A_17 : vector<16xi32>
      %and3A_51 = arith.andi %get3A_49, %broadcast_in_dim3A_19 : vector<16xi32>
      tpu.vector_store_idx %arg5[%shift_right_arithmetic3A_50, %and3A_51], %broadcast_in_dim3A_15 {add = true} : memref<80x128xf32, #tpu.memory_space<vmem>>[vector<16xi32>, vector<16xi32>], vector<16xf32>,
      %get3A_52 = arith.index_cast %while3A_29 : i32 to index
      %get3A_53 = arith.constant 80 : index
      %get3A_54 = tpu.vector_load %arg4[%get3A_52, %get3A_53] {strides = array<i32>} : memref<88x128xi32, #tpu.memory_space<vmem>>, vector<16xi32>,
      %shift_right_arithmetic3A_55 = arith.shrsi %get3A_54, %broadcast_in_dim3A_17 : vector<16xi32>
      %and3A_56 = arith.andi %get3A_54, %broadcast_in_dim3A_19 : vector<16xi32>
      tpu.vector_store_idx %arg5[%shift_right_arithmetic3A_55, %and3A_56], %broadcast_in_dim3A_15 {add = true} : memref<80x128xf32, #tpu.memory_space<vmem>>[vector<16xi32>, vector<16xi32>], vector<16xf32>,
      %get3A_57 = arith.index_cast %while3A_29 : i32 to index
      %get3A_58 = arith.constant 96 : index
      %get3A_59 = tpu.vector_load %arg4[%get3A_57, %get3A_58] {strides = array<i32>} : memref<88x128xi32, #tpu.memory_space<vmem>>, vector<16xi32>,
      %shift_right_arithmetic3A_60 = arith.shrsi %get3A_59, %broadcast_in_dim3A_17 : vector<16xi32>
      %and3A_61 = arith.andi %get3A_59, %broadcast_in_dim3A_19 : vector<16xi32>
      tpu.vector_store_idx %arg5[%shift_right_arithmetic3A_60, %and3A_61], %broadcast_in_dim3A_15 {add = true} : memref<80x128xf32, #tpu.memory_space<vmem>>[vector<16xi32>, vector<16xi32>], vector<16xf32>,
      %get3A_62 = arith.index_cast %while3A_29 : i32 to index
      %get3A_63 = arith.constant 112 : index
      %get3A_64 = tpu.vector_load %arg4[%get3A_62, %get3A_63] {strides = array<i32>} : memref<88x128xi32, #tpu.memory_space<vmem>>, vector<16xi32>,
      %shift_right_arithmetic3A_65 = arith.shrsi %get3A_64, %broadcast_in_dim3A_17 : vector<16xi32>
      %and3A_66 = arith.andi %get3A_64, %broadcast_in_dim3A_19 : vector<16xi32>
      tpu.vector_store_idx %arg5[%shift_right_arithmetic3A_65, %and3A_66], %broadcast_in_dim3A_15 {add = true} : memref<80x128xf32, #tpu.memory_space<vmem>>[vector<16xi32>, vector<16xi32>], vector<16xf32>,
    }
    "tpu.region"() ({
      %run_scoped3A = tpu.sem_alloc : memref<!tpu.dma_semaphore, #tpu.memory_space<semaphore_mem>>
      %dma_start3A = arith.constant 0 : i32
      %dma_start3A_29 = arith.constant 0 : i32
      %dma_start3A_30 = tpu.memref_slice %arg3[%add3A, %dma_start3A, %dma_start3A_29] : memref<32x80x128xf32, #tpu.memory_space<hbm>> -> memref<1x80x128xf32, #tpu.memory_space<hbm>>
      %dma_start3A_31 = tpu.memref_squeeze %dma_start3A_30 : memref<1x80x128xf32, #tpu.memory_space<hbm>> -> memref<80x128xf32, #tpu.memory_space<hbm>>
      %dma_start3A_32 = arith.constant 0 : i32
      %dma_start3A_33 = arith.constant 0 : i32
      %dma_start3A_34 = tpu.memref_slice %arg3[%add3A, %dma_start3A_32, %dma_start3A_33] : memref<32x80x128xf32, #tpu.memory_space<hbm>> -> memref<1x80x128xf32, #tpu.memory_space<hbm>>
      %dma_start3A_35 = tpu.memref_squeeze %dma_start3A_34 : memref<1x80x128xf32, #tpu.memory_space<hbm>> -> memref<80x128xf32, #tpu.memory_space<hbm>>
      tpu.enqueue_dma source(%arg5 : memref<80x128xf32, #tpu.memory_space<vmem>>) target(%dma_start3A_35 : memref<80x128xf32, #tpu.memory_space<hbm>>) target_semaphore(%run_scoped3A : memref<!tpu.dma_semaphore, #tpu.memory_space<semaphore_mem>>)
      %dma_wait3A = arith.constant 0 : i32
      %dma_wait3A_36 = arith.constant 0 : i32
      %dma_wait3A_37 = tpu.memref_slice %arg3[%add3A, %dma_wait3A, %dma_wait3A_36] : memref<32x80x128xf32, #tpu.memory_space<hbm>> -> memref<1x80x128xf32, #tpu.memory_space<hbm>>
      %dma_wait3A_38 = tpu.memref_squeeze %dma_wait3A_37 : memref<1x80x128xf32, #tpu.memory_space<hbm>> -> memref<80x128xf32, #tpu.memory_space<hbm>>
      %dma_wait3A_39 = arith.constant 0 : i32
      %dma_wait3A_40 = arith.constant 0 : i32
      %dma_wait3A_41 = tpu.memref_slice %arg3[%add3A, %dma_wait3A_39, %dma_wait3A_40] : memref<32x80x128xf32, #tpu.memory_space<hbm>> -> memref<1x80x128xf32, #tpu.memory_space<hbm>>
      %dma_wait3A_42 = tpu.memref_squeeze %dma_wait3A_41 : memref<1x80x128xf32, #tpu.memory_space<hbm>> -> memref<80x128xf32, #tpu.memory_space<hbm>>
      tpu.wait_dma2 semaphore(%run_scoped3A : memref<!tpu.dma_semaphore, #tpu.memory_space<semaphore_mem>>) src(%arg5 : memref<80x128xf32, #tpu.memory_space<vmem>>) dst(%dma_wait3A_42 : memref<80x128xf32, #tpu.memory_space<hbm>>)
      tpu.yield
    }) : () -> ()
    return
  }
}

#map = affine_map<(d0, d1) -> (0, 0)>
#map1 = affine_map<(d0, d1) -> (0, 0, 0)>
module attributes {stable_mosaic.version = 14 : i64} {
  func.func @_lambda_(%arg0: i32, %arg1: i32, %arg2: memref<10240x64xf32, #tpu.memory_space<hbm>>, %arg3: memref<10240x64xf32, #tpu.memory_space<hbm>>, %arg4: memref<2600x128xi32, #tpu.memory_space<hbm>>, %arg5: memref<2600x128xi32, #tpu.memory_space<hbm>>, %arg6: memref<80x128xf32, #tpu.memory_space<hbm>>, %arg7: memref<640x64xf32, #tpu.memory_space<hbm>>, %arg8: memref<2x10240x64xf32, #tpu.memory_space<hbm>>, %arg9: memref<2x10240x64xf32, #tpu.memory_space<hbm>>, %arg10: memref<32x80x128xf32, #tpu.memory_space<hbm>>, %arg11: memref<88x128xi32, #tpu.memory_space<vmem>>, %arg12: memref<88x128xi32, #tpu.memory_space<vmem>>, %arg13: memref<80x128xf32, #tpu.memory_space<vmem>>, %arg14: memref<80x128xf32, #tpu.memory_space<vmem>>, %arg15: memref<128x64xf32, #tpu.memory_space<vmem>>, %arg16: memref<10240x64xf32, #tpu.memory_space<vmem_shared>>, %arg17: memref<!tpu.dma_semaphore, #tpu.memory_space<semaphore_mem>>) attributes {dimension_semantics = [#tpu.dimension_semantics<core_parallel>, #tpu.dimension_semantics<subcore_parallel>], iteration_bounds = array<i64: 2, 16>, scalar_prefetch = 0 : i64, scratch_operands = 7 : i64, tpu.core_type = #tpu.core_type<sc_vector_subcore>, window_params = [{transform_indices = #map}, {transform_indices = #map}, {transform_indices = #map}, {transform_indices = #map}, {transform_indices = #map}, {transform_indices = #map}, {transform_indices = #map1}, {transform_indices = #map1}, {transform_indices = #map1}]} {
    %mul3A = arith.constant 2 : i32
    %mul3A_0 = arith.muli %arg1, %mul3A : i32
    %add3A = arith.addi %mul3A_0, %arg0 : i32
    %eq3A = arith.constant 0 : i32
    %eq3A_1 = arith.cmpi eq, %arg0, %eq3A : i32
    %jit3A = arith.constant 88 : i32
    %jit3A_2 = arith.constant 69 : i32
    %select_n3A = arith.select %eq3A_1, %jit3A, %jit3A_2 : i32
    %mul3A_3 = arith.constant 157 : i32
    %mul3A_4 = arith.muli %arg1, %mul3A_3 : i32
    %mul3A_5 = arith.constant 88 : i32
    %mul3A_6 = arith.muli %arg0, %mul3A_5 : i32
    %add3A_7 = arith.addi %mul3A_4, %mul3A_6 : i32
    %mul3A_8 = arith.constant 640 : i32
    %mul3A_9 = arith.muli %arg1, %mul3A_8 : i32
    "tpu.region"() ({
      %run_scoped3A = tpu.sem_alloc : memref<!tpu.dma_semaphore, #tpu.memory_space<semaphore_mem>>
      %dma_start3A = arith.constant 0 : i32
      %dma_start3A_42 = tpu.memref_slice %arg4[%add3A_7, %dma_start3A] : memref<2600x128xi32, #tpu.memory_space<hbm>> -> memref<88x128xi32, #tpu.memory_space<hbm>>
      %dma_start3A_43 = arith.constant 0 : i32
      %dma_start3A_44 = tpu.memref_slice %arg4[%add3A_7, %dma_start3A_43] : memref<2600x128xi32, #tpu.memory_space<hbm>> -> memref<88x128xi32, #tpu.memory_space<hbm>>
      tpu.enqueue_dma source(%dma_start3A_44 : memref<88x128xi32, #tpu.memory_space<hbm>>) target(%arg11 : memref<88x128xi32, #tpu.memory_space<vmem>>) target_semaphore(%run_scoped3A : memref<!tpu.dma_semaphore, #tpu.memory_space<semaphore_mem>>)
      %dma_wait3A = arith.constant 0 : i32
      %dma_wait3A_45 = tpu.memref_slice %arg4[%add3A_7, %dma_wait3A] : memref<2600x128xi32, #tpu.memory_space<hbm>> -> memref<88x128xi32, #tpu.memory_space<hbm>>
      %dma_wait3A_46 = arith.constant 0 : i32
      %dma_wait3A_47 = tpu.memref_slice %arg4[%add3A_7, %dma_wait3A_46] : memref<2600x128xi32, #tpu.memory_space<hbm>> -> memref<88x128xi32, #tpu.memory_space<hbm>>
      tpu.wait_dma2 semaphore(%run_scoped3A : memref<!tpu.dma_semaphore, #tpu.memory_space<semaphore_mem>>) src(%dma_wait3A_47 : memref<88x128xi32, #tpu.memory_space<hbm>>) dst(%arg11 : memref<88x128xi32, #tpu.memory_space<vmem>>)
      tpu.yield
    }) : () -> ()
    "tpu.region"() ({
      %run_scoped3A = tpu.sem_alloc : memref<!tpu.dma_semaphore, #tpu.memory_space<semaphore_mem>>
      %dma_start3A = arith.constant 0 : i32
      %dma_start3A_42 = tpu.memref_slice %arg5[%add3A_7, %dma_start3A] : memref<2600x128xi32, #tpu.memory_space<hbm>> -> memref<88x128xi32, #tpu.memory_space<hbm>>
      %dma_start3A_43 = arith.constant 0 : i32
      %dma_start3A_44 = tpu.memref_slice %arg5[%add3A_7, %dma_start3A_43] : memref<2600x128xi32, #tpu.memory_space<hbm>> -> memref<88x128xi32, #tpu.memory_space<hbm>>
      tpu.enqueue_dma source(%dma_start3A_44 : memref<88x128xi32, #tpu.memory_space<hbm>>) target(%arg12 : memref<88x128xi32, #tpu.memory_space<vmem>>) target_semaphore(%run_scoped3A : memref<!tpu.dma_semaphore, #tpu.memory_space<semaphore_mem>>)
      %dma_wait3A = arith.constant 0 : i32
      %dma_wait3A_45 = tpu.memref_slice %arg5[%add3A_7, %dma_wait3A] : memref<2600x128xi32, #tpu.memory_space<hbm>> -> memref<88x128xi32, #tpu.memory_space<hbm>>
      %dma_wait3A_46 = arith.constant 0 : i32
      %dma_wait3A_47 = tpu.memref_slice %arg5[%add3A_7, %dma_wait3A_46] : memref<2600x128xi32, #tpu.memory_space<hbm>> -> memref<88x128xi32, #tpu.memory_space<hbm>>
      tpu.wait_dma2 semaphore(%run_scoped3A : memref<!tpu.dma_semaphore, #tpu.memory_space<semaphore_mem>>) src(%dma_wait3A_47 : memref<88x128xi32, #tpu.memory_space<hbm>>) dst(%arg12 : memref<88x128xi32, #tpu.memory_space<vmem>>)
      tpu.yield
    }) : () -> ()
    "tpu.region"() ({
      %run_scoped3A = tpu.sem_alloc : memref<!tpu.dma_semaphore, #tpu.memory_space<semaphore_mem>>
      tpu.enqueue_dma source(%arg6 : memref<80x128xf32, #tpu.memory_space<hbm>>) target(%arg13 : memref<80x128xf32, #tpu.memory_space<vmem>>) target_semaphore(%run_scoped3A : memref<!tpu.dma_semaphore, #tpu.memory_space<semaphore_mem>>)
      tpu.wait_dma2 semaphore(%run_scoped3A : memref<!tpu.dma_semaphore, #tpu.memory_space<semaphore_mem>>) src(%arg6 : memref<80x128xf32, #tpu.memory_space<hbm>>) dst(%arg13 : memref<80x128xf32, #tpu.memory_space<vmem>>)
      tpu.yield
    }) : () -> ()
    %broadcast_in_dim3A = arith.constant 0.000000e+00 : f32
    %broadcast_in_dim3A_10 = vector.broadcast %broadcast_in_dim3A : f32 to vector<16xf32>
    %scan3A = arith.constant 0 : i32
    %scan3A_11 = arith.constant 0 : i32
    %scan3A_12 = arith.constant 640 : i32
    %scan3A_13 = arith.addi %scan3A_11, %scan3A_12 : i32
    %scan3A_14 = arith.constant 1 : i32
    scf.for %scan3A_42 = %scan3A_11 to %scan3A_13 step %scan3A_14  : i32 {
      %jit3A_43 = arith.constant 8 : i32
      %div3A = arith.divsi %scan3A_42, %jit3A_43 : i32
      %sign3A = arith.constant 0 : i32
      %sign3A_44 = arith.cmpi sgt, %scan3A_42, %sign3A : i32
      %sign3A_45 = arith.extui %sign3A_44 : i1 to i32
      %sign3A_46 = arith.constant 0 : i32
      %sign3A_47 = arith.cmpi slt, %scan3A_42, %sign3A_46 : i32
      %sign3A_48 = arith.extui %sign3A_47 : i1 to i32
      %sign3A_49 = arith.subi %sign3A_45, %sign3A_48 : i32
      %sign3A_50 = arith.constant 0 : i32
      %sign3A_51 = arith.cmpi sgt, %jit3A_43, %sign3A_50 : i32
      %sign3A_52 = arith.extui %sign3A_51 : i1 to i32
      %sign3A_53 = arith.constant 0 : i32
      %sign3A_54 = arith.cmpi slt, %jit3A_43, %sign3A_53 : i32
      %sign3A_55 = arith.extui %sign3A_54 : i1 to i32
      %sign3A_56 = arith.subi %sign3A_52, %sign3A_55 : i32
      %ne3A = arith.cmpi ne, %sign3A_49, %sign3A_56 : i32
      %rem3A = arith.remsi %scan3A_42, %jit3A_43 : i32
      %ne3A_57 = arith.constant 0 : i32
      %ne3A_58 = arith.cmpi ne, %rem3A, %ne3A_57 : i32
      %and3A = arith.andi %ne3A, %ne3A_58 : i1
      %sub3A = arith.constant 1 : i32
      %sub3A_59 = arith.subi %div3A, %sub3A : i32
      %select_n3A_60 = arith.select %and3A, %sub3A_59, %div3A : i32
      %mul3A_61 = arith.constant 8 : i32
      %mul3A_62 = arith.muli %select_n3A_60, %mul3A_61 : i32
      %sub3A_63 = arith.subi %scan3A_42, %mul3A_62 : i32
      %mul3A_64 = arith.constant 16 : i32
      %mul3A_65 = arith.muli %sub3A_63, %mul3A_64 : i32
      %swap3A = arith.index_cast %select_n3A_60 : i32 to index
      %swap3A_66 = arith.index_cast %mul3A_65 : i32 to index
      %swap3A_67 = tpu.vector_load %arg14[%swap3A, %swap3A_66] {strides = array<i32>} : memref<80x128xf32, #tpu.memory_space<vmem>>, vector<16xf32>,
      tpu.vector_store %arg14[%swap3A, %swap3A_66], %broadcast_in_dim3A_10 {strides = array<i32>} : memref<80x128xf32, #tpu.memory_space<vmem>>, vector<16xf32>,
    }
    %scan3A_15 = arith.constant 640 : i32
    %broadcast_in_dim3A_16 = arith.constant 7 : i32
    %broadcast_in_dim3A_17 = vector.broadcast %broadcast_in_dim3A_16 : i32 to vector<16xi32>
    %broadcast_in_dim3A_18 = arith.constant 127 : i32
    %broadcast_in_dim3A_19 = vector.broadcast %broadcast_in_dim3A_18 : i32 to vector<16xi32>
    "tpu.region"() ({
      %run_scoped3A = tpu.sem_alloc : memref<!tpu.dma_semaphore, #tpu.memory_space<semaphore_mem>>
      %dma_start3A = arith.constant 0 : i32
      %dma_start3A_42 = tpu.memref_slice %arg16[%mul3A_9, %dma_start3A] : memref<10240x64xf32, #tpu.memory_space<vmem_shared>> -> memref<640x64xf32, #tpu.memory_space<vmem_shared>>
      tpu.enqueue_dma source(%arg7 : memref<640x64xf32, #tpu.memory_space<hbm>>) target(%dma_start3A_42 : memref<640x64xf32, #tpu.memory_space<vmem_shared>>) target_semaphore(%run_scoped3A : memref<!tpu.dma_semaphore, #tpu.memory_space<semaphore_mem>>)
      %dma_wait3A = arith.constant 0 : i32
      %dma_wait3A_43 = tpu.memref_slice %arg16[%mul3A_9, %dma_wait3A] : memref<10240x64xf32, #tpu.memory_space<vmem_shared>> -> memref<640x64xf32, #tpu.memory_space<vmem_shared>>
      tpu.wait_dma2 semaphore(%run_scoped3A : memref<!tpu.dma_semaphore, #tpu.memory_space<semaphore_mem>>) src(%arg7 : memref<640x64xf32, #tpu.memory_space<hbm>>) dst(%dma_wait3A_43 : memref<640x64xf32, #tpu.memory_space<vmem_shared>>)
      tpu.yield
    }) : () -> ()
    %barrier3A = arith.constant 0 : index
    tpu.barrier barrier_id(%barrier3A)
    %while3A = arith.constant 0 : i32
    %while3A_20 = arith.constant 0 : i32
    %while3A_21 = arith.subi %select_n3A, %while3A_20 : i32
    %while3A_22 = arith.addi %while3A_20, %while3A_21 : i32
    %while3A_23 = arith.constant 1 : i32
    %while3A_24 = arith.divsi %while3A_21, %while3A_23 : i32
    %while3A_25 = arith.muli %while3A_24, %while3A_23 : i32
    %while3A_26 = arith.addi %while3A_20, %while3A_25 : i32
    %while3A_27 = arith.constant 1 : i32
    scf.for %while3A_42 = %while3A_20 to %while3A_26 step %while3A_27  : i32 {
      %dma_start3A = arith.constant 0 : i32
      %dma_start3A_43 = tpu.memref_slice %arg11[%while3A_42, %dma_start3A] : memref<88x128xi32, #tpu.memory_space<vmem>> -> memref<1x128xi32, #tpu.memory_space<vmem>>
      %dma_start3A_44 = tpu.memref_squeeze %dma_start3A_43 : memref<1x128xi32, #tpu.memory_space<vmem>> -> memref<128xi32, #tpu.memory_space<vmem>>
      %dma_start3A_45 = arith.constant 0 : i32
      %dma_start3A_46 = arith.constant 0 : i32
      %dma_start3A_47 = tpu.memref_slice %arg2[%dma_start3A_45, %dma_start3A_46] : memref<10240x64xf32, #tpu.memory_space<hbm>> -> memref<10240x64xf32, #tpu.memory_space<hbm>>
      tpu.enqueue_indirect_dma source(%dma_start3A_47 : memref<10240x64xf32, #tpu.memory_space<hbm>>) target(%arg15 : memref<128x64xf32, #tpu.memory_space<vmem>>) offsets(%dma_start3A_44 : memref<128xi32, #tpu.memory_space<vmem>>) semaphore(%arg17 : memref<!tpu.dma_semaphore, #tpu.memory_space<semaphore_mem>>)
      %dma_wait3A = arith.constant 0 : i32
      %dma_wait3A_48 = tpu.memref_slice %arg11[%while3A_42, %dma_wait3A] : memref<88x128xi32, #tpu.memory_space<vmem>> -> memref<1x128xi32, #tpu.memory_space<vmem>>
      %dma_wait3A_49 = tpu.memref_squeeze %dma_wait3A_48 : memref<1x128xi32, #tpu.memory_space<vmem>> -> memref<128xi32, #tpu.memory_space<vmem>>
      %dma_wait3A_50 = arith.constant 0 : i32
      %dma_wait3A_51 = arith.constant 0 : i32
      %dma_wait3A_52 = tpu.memref_slice %arg2[%dma_wait3A_50, %dma_wait3A_51] : memref<10240x64xf32, #tpu.memory_space<hbm>> -> memref<10240x64xf32, #tpu.memory_space<hbm>>
      tpu.wait_indirect_dma semaphore(%arg17 : memref<!tpu.dma_semaphore, #tpu.memory_space<semaphore_mem>>) src(%dma_wait3A_52 : memref<10240x64xf32, #tpu.memory_space<hbm>>) dst(%arg15 : memref<128x64xf32, #tpu.memory_space<vmem>>)
      "tpu.region"() ({
        %run_scoped3A = tpu.sem_alloc : memref<!tpu.dma_semaphore, #tpu.memory_space<semaphore_mem>>
        %dma_start3A_137 = arith.constant 0 : i32
        %dma_start3A_138 = tpu.memref_slice %arg12[%while3A_42, %dma_start3A_137] : memref<88x128xi32, #tpu.memory_space<vmem>> -> memref<1x128xi32, #tpu.memory_space<vmem>>
        %dma_start3A_139 = tpu.memref_squeeze %dma_start3A_138 : memref<1x128xi32, #tpu.memory_space<vmem>> -> memref<128xi32, #tpu.memory_space<vmem>>
        %dma_start3A_140 = arith.constant 0 : i32
        %dma_start3A_141 = arith.constant 0 : i32
        %dma_start3A_142 = tpu.memref_slice %arg16[%dma_start3A_140, %dma_start3A_141] : memref<10240x64xf32, #tpu.memory_space<vmem_shared>> -> memref<10240x64xf32, #tpu.memory_space<vmem_shared>>
        tpu.enqueue_indirect_dma source(%arg15 : memref<128x64xf32, #tpu.memory_space<vmem>>) target(%dma_start3A_142 : memref<10240x64xf32, #tpu.memory_space<vmem_shared>>) offsets(%dma_start3A_139 : memref<128xi32, #tpu.memory_space<vmem>>) semaphore(%run_scoped3A : memref<!tpu.dma_semaphore, #tpu.memory_space<semaphore_mem>>) {add = true}
        %dma_wait3A_143 = arith.constant 0 : i32
        %dma_wait3A_144 = tpu.memref_slice %arg12[%while3A_42, %dma_wait3A_143] : memref<88x128xi32, #tpu.memory_space<vmem>> -> memref<1x128xi32, #tpu.memory_space<vmem>>
        %dma_wait3A_145 = tpu.memref_squeeze %dma_wait3A_144 : memref<1x128xi32, #tpu.memory_space<vmem>> -> memref<128xi32, #tpu.memory_space<vmem>>
        %dma_wait3A_146 = arith.constant 0 : i32
        %dma_wait3A_147 = arith.constant 0 : i32
        %dma_wait3A_148 = tpu.memref_slice %arg16[%dma_wait3A_146, %dma_wait3A_147] : memref<10240x64xf32, #tpu.memory_space<vmem_shared>> -> memref<10240x64xf32, #tpu.memory_space<vmem_shared>>
        tpu.wait_indirect_dma semaphore(%run_scoped3A : memref<!tpu.dma_semaphore, #tpu.memory_space<semaphore_mem>>) src(%arg15 : memref<128x64xf32, #tpu.memory_space<vmem>>) dst(%dma_wait3A_148 : memref<10240x64xf32, #tpu.memory_space<vmem_shared>>)
        tpu.yield
      }) : () -> ()
      %get3A = arith.index_cast %while3A_42 : i32 to index
      %get3A_53 = arith.constant 0 : index
      %get3A_54 = tpu.vector_load %arg11[%get3A, %get3A_53] {strides = array<i32>} : memref<88x128xi32, #tpu.memory_space<vmem>>, vector<16xi32>,
      %get3A_55 = arith.index_cast %while3A_42 : i32 to index
      %get3A_56 = arith.constant 0 : index
      %get3A_57 = tpu.vector_load %arg12[%get3A_55, %get3A_56] {strides = array<i32>} : memref<88x128xi32, #tpu.memory_space<vmem>>, vector<16xi32>,
      %shift_right_arithmetic3A = arith.shrsi %get3A_54, %broadcast_in_dim3A_17 : vector<16xi32>
      %and3A = arith.andi %get3A_54, %broadcast_in_dim3A_19 : vector<16xi32>
      %gather3A = tpu.vector_load_idx %arg13[%shift_right_arithmetic3A, %and3A] : memref<80x128xf32, #tpu.memory_space<vmem>>[vector<16xi32>, vector<16xi32>], vector<16xf32>,
      %shift_right_arithmetic3A_58 = arith.shrsi %get3A_57, %broadcast_in_dim3A_17 : vector<16xi32>
      %and3A_59 = arith.andi %get3A_57, %broadcast_in_dim3A_19 : vector<16xi32>
      tpu.vector_store_idx %arg14[%shift_right_arithmetic3A_58, %and3A_59], %gather3A {add = true} : memref<80x128xf32, #tpu.memory_space<vmem>>[vector<16xi32>, vector<16xi32>], vector<16xf32>,
      %get3A_60 = arith.index_cast %while3A_42 : i32 to index
      %get3A_61 = arith.constant 16 : index
      %get3A_62 = tpu.vector_load %arg11[%get3A_60, %get3A_61] {strides = array<i32>} : memref<88x128xi32, #tpu.memory_space<vmem>>, vector<16xi32>,
      %get3A_63 = arith.index_cast %while3A_42 : i32 to index
      %get3A_64 = arith.constant 16 : index
      %get3A_65 = tpu.vector_load %arg12[%get3A_63, %get3A_64] {strides = array<i32>} : memref<88x128xi32, #tpu.memory_space<vmem>>, vector<16xi32>,
      %shift_right_arithmetic3A_66 = arith.shrsi %get3A_62, %broadcast_in_dim3A_17 : vector<16xi32>
      %and3A_67 = arith.andi %get3A_62, %broadcast_in_dim3A_19 : vector<16xi32>
      %gather3A_68 = tpu.vector_load_idx %arg13[%shift_right_arithmetic3A_66, %and3A_67] : memref<80x128xf32, #tpu.memory_space<vmem>>[vector<16xi32>, vector<16xi32>], vector<16xf32>,
      %shift_right_arithmetic3A_69 = arith.shrsi %get3A_65, %broadcast_in_dim3A_17 : vector<16xi32>
      %and3A_70 = arith.andi %get3A_65, %broadcast_in_dim3A_19 : vector<16xi32>
      tpu.vector_store_idx %arg14[%shift_right_arithmetic3A_69, %and3A_70], %gather3A_68 {add = true} : memref<80x128xf32, #tpu.memory_space<vmem>>[vector<16xi32>, vector<16xi32>], vector<16xf32>,
      %get3A_71 = arith.index_cast %while3A_42 : i32 to index
      %get3A_72 = arith.constant 32 : index
      %get3A_73 = tpu.vector_load %arg11[%get3A_71, %get3A_72] {strides = array<i32>} : memref<88x128xi32, #tpu.memory_space<vmem>>, vector<16xi32>,
      %get3A_74 = arith.index_cast %while3A_42 : i32 to index
      %get3A_75 = arith.constant 32 : index
      %get3A_76 = tpu.vector_load %arg12[%get3A_74, %get3A_75] {strides = array<i32>} : memref<88x128xi32, #tpu.memory_space<vmem>>, vector<16xi32>,
      %shift_right_arithmetic3A_77 = arith.shrsi %get3A_73, %broadcast_in_dim3A_17 : vector<16xi32>
      %and3A_78 = arith.andi %get3A_73, %broadcast_in_dim3A_19 : vector<16xi32>
      %gather3A_79 = tpu.vector_load_idx %arg13[%shift_right_arithmetic3A_77, %and3A_78] : memref<80x128xf32, #tpu.memory_space<vmem>>[vector<16xi32>, vector<16xi32>], vector<16xf32>,
      %shift_right_arithmetic3A_80 = arith.shrsi %get3A_76, %broadcast_in_dim3A_17 : vector<16xi32>
      %and3A_81 = arith.andi %get3A_76, %broadcast_in_dim3A_19 : vector<16xi32>
      tpu.vector_store_idx %arg14[%shift_right_arithmetic3A_80, %and3A_81], %gather3A_79 {add = true} : memref<80x128xf32, #tpu.memory_space<vmem>>[vector<16xi32>, vector<16xi32>], vector<16xf32>,
      %get3A_82 = arith.index_cast %while3A_42 : i32 to index
      %get3A_83 = arith.constant 48 : index
      %get3A_84 = tpu.vector_load %arg11[%get3A_82, %get3A_83] {strides = array<i32>} : memref<88x128xi32, #tpu.memory_space<vmem>>, vector<16xi32>,
      %get3A_85 = arith.index_cast %while3A_42 : i32 to index
      %get3A_86 = arith.constant 48 : index
      %get3A_87 = tpu.vector_load %arg12[%get3A_85, %get3A_86] {strides = array<i32>} : memref<88x128xi32, #tpu.memory_space<vmem>>, vector<16xi32>,
      %shift_right_arithmetic3A_88 = arith.shrsi %get3A_84, %broadcast_in_dim3A_17 : vector<16xi32>
      %and3A_89 = arith.andi %get3A_84, %broadcast_in_dim3A_19 : vector<16xi32>
      %gather3A_90 = tpu.vector_load_idx %arg13[%shift_right_arithmetic3A_88, %and3A_89] : memref<80x128xf32, #tpu.memory_space<vmem>>[vector<16xi32>, vector<16xi32>], vector<16xf32>,
      %shift_right_arithmetic3A_91 = arith.shrsi %get3A_87, %broadcast_in_dim3A_17 : vector<16xi32>
      %and3A_92 = arith.andi %get3A_87, %broadcast_in_dim3A_19 : vector<16xi32>
      tpu.vector_store_idx %arg14[%shift_right_arithmetic3A_91, %and3A_92], %gather3A_90 {add = true} : memref<80x128xf32, #tpu.memory_space<vmem>>[vector<16xi32>, vector<16xi32>], vector<16xf32>,
      %get3A_93 = arith.index_cast %while3A_42 : i32 to index
      %get3A_94 = arith.constant 64 : index
      %get3A_95 = tpu.vector_load %arg11[%get3A_93, %get3A_94] {strides = array<i32>} : memref<88x128xi32, #tpu.memory_space<vmem>>, vector<16xi32>,
      %get3A_96 = arith.index_cast %while3A_42 : i32 to index
      %get3A_97 = arith.constant 64 : index
      %get3A_98 = tpu.vector_load %arg12[%get3A_96, %get3A_97] {strides = array<i32>} : memref<88x128xi32, #tpu.memory_space<vmem>>, vector<16xi32>,
      %shift_right_arithmetic3A_99 = arith.shrsi %get3A_95, %broadcast_in_dim3A_17 : vector<16xi32>
      %and3A_100 = arith.andi %get3A_95, %broadcast_in_dim3A_19 : vector<16xi32>
      %gather3A_101 = tpu.vector_load_idx %arg13[%shift_right_arithmetic3A_99, %and3A_100] : memref<80x128xf32, #tpu.memory_space<vmem>>[vector<16xi32>, vector<16xi32>], vector<16xf32>,
      %shift_right_arithmetic3A_102 = arith.shrsi %get3A_98, %broadcast_in_dim3A_17 : vector<16xi32>
      %and3A_103 = arith.andi %get3A_98, %broadcast_in_dim3A_19 : vector<16xi32>
      tpu.vector_store_idx %arg14[%shift_right_arithmetic3A_102, %and3A_103], %gather3A_101 {add = true} : memref<80x128xf32, #tpu.memory_space<vmem>>[vector<16xi32>, vector<16xi32>], vector<16xf32>,
      %get3A_104 = arith.index_cast %while3A_42 : i32 to index
      %get3A_105 = arith.constant 80 : index
      %get3A_106 = tpu.vector_load %arg11[%get3A_104, %get3A_105] {strides = array<i32>} : memref<88x128xi32, #tpu.memory_space<vmem>>, vector<16xi32>,
      %get3A_107 = arith.index_cast %while3A_42 : i32 to index
      %get3A_108 = arith.constant 80 : index
      %get3A_109 = tpu.vector_load %arg12[%get3A_107, %get3A_108] {strides = array<i32>} : memref<88x128xi32, #tpu.memory_space<vmem>>, vector<16xi32>,
      %shift_right_arithmetic3A_110 = arith.shrsi %get3A_106, %broadcast_in_dim3A_17 : vector<16xi32>
      %and3A_111 = arith.andi %get3A_106, %broadcast_in_dim3A_19 : vector<16xi32>
      %gather3A_112 = tpu.vector_load_idx %arg13[%shift_right_arithmetic3A_110, %and3A_111] : memref<80x128xf32, #tpu.memory_space<vmem>>[vector<16xi32>, vector<16xi32>], vector<16xf32>,
      %shift_right_arithmetic3A_113 = arith.shrsi %get3A_109, %broadcast_in_dim3A_17 : vector<16xi32>
      %and3A_114 = arith.andi %get3A_109, %broadcast_in_dim3A_19 : vector<16xi32>
      tpu.vector_store_idx %arg14[%shift_right_arithmetic3A_113, %and3A_114], %gather3A_112 {add = true} : memref<80x128xf32, #tpu.memory_space<vmem>>[vector<16xi32>, vector<16xi32>], vector<16xf32>,
      %get3A_115 = arith.index_cast %while3A_42 : i32 to index
      %get3A_116 = arith.constant 96 : index
      %get3A_117 = tpu.vector_load %arg11[%get3A_115, %get3A_116] {strides = array<i32>} : memref<88x128xi32, #tpu.memory_space<vmem>>, vector<16xi32>,
      %get3A_118 = arith.index_cast %while3A_42 : i32 to index
      %get3A_119 = arith.constant 96 : index
      %get3A_120 = tpu.vector_load %arg12[%get3A_118, %get3A_119] {strides = array<i32>} : memref<88x128xi32, #tpu.memory_space<vmem>>, vector<16xi32>,
      %shift_right_arithmetic3A_121 = arith.shrsi %get3A_117, %broadcast_in_dim3A_17 : vector<16xi32>
      %and3A_122 = arith.andi %get3A_117, %broadcast_in_dim3A_19 : vector<16xi32>
      %gather3A_123 = tpu.vector_load_idx %arg13[%shift_right_arithmetic3A_121, %and3A_122] : memref<80x128xf32, #tpu.memory_space<vmem>>[vector<16xi32>, vector<16xi32>], vector<16xf32>,
      %shift_right_arithmetic3A_124 = arith.shrsi %get3A_120, %broadcast_in_dim3A_17 : vector<16xi32>
      %and3A_125 = arith.andi %get3A_120, %broadcast_in_dim3A_19 : vector<16xi32>
      tpu.vector_store_idx %arg14[%shift_right_arithmetic3A_124, %and3A_125], %gather3A_123 {add = true} : memref<80x128xf32, #tpu.memory_space<vmem>>[vector<16xi32>, vector<16xi32>], vector<16xf32>,
      %get3A_126 = arith.index_cast %while3A_42 : i32 to index
      %get3A_127 = arith.constant 112 : index
      %get3A_128 = tpu.vector_load %arg11[%get3A_126, %get3A_127] {strides = array<i32>} : memref<88x128xi32, #tpu.memory_space<vmem>>, vector<16xi32>,
      %get3A_129 = arith.index_cast %while3A_42 : i32 to index
      %get3A_130 = arith.constant 112 : index
      %get3A_131 = tpu.vector_load %arg12[%get3A_129, %get3A_130] {strides = array<i32>} : memref<88x128xi32, #tpu.memory_space<vmem>>, vector<16xi32>,
      %shift_right_arithmetic3A_132 = arith.shrsi %get3A_128, %broadcast_in_dim3A_17 : vector<16xi32>
      %and3A_133 = arith.andi %get3A_128, %broadcast_in_dim3A_19 : vector<16xi32>
      %gather3A_134 = tpu.vector_load_idx %arg13[%shift_right_arithmetic3A_132, %and3A_133] : memref<80x128xf32, #tpu.memory_space<vmem>>[vector<16xi32>, vector<16xi32>], vector<16xf32>,
      %shift_right_arithmetic3A_135 = arith.shrsi %get3A_131, %broadcast_in_dim3A_17 : vector<16xi32>
      %and3A_136 = arith.andi %get3A_131, %broadcast_in_dim3A_19 : vector<16xi32>
      tpu.vector_store_idx %arg14[%shift_right_arithmetic3A_135, %and3A_136], %gather3A_134 {add = true} : memref<80x128xf32, #tpu.memory_space<vmem>>[vector<16xi32>, vector<16xi32>], vector<16xf32>,
    }
    %while3A_28 = arith.constant 1 : i32
    scf.for %while3A_42 = %while3A_26 to %while3A_22 step %while3A_28  : i32 {
      %dma_start3A = arith.constant 0 : i32
      %dma_start3A_43 = tpu.memref_slice %arg11[%while3A_42, %dma_start3A] : memref<88x128xi32, #tpu.memory_space<vmem>> -> memref<1x128xi32, #tpu.memory_space<vmem>>
      %dma_start3A_44 = tpu.memref_squeeze %dma_start3A_43 : memref<1x128xi32, #tpu.memory_space<vmem>> -> memref<128xi32, #tpu.memory_space<vmem>>
      %dma_start3A_45 = arith.constant 0 : i32
      %dma_start3A_46 = arith.constant 0 : i32
      %dma_start3A_47 = tpu.memref_slice %arg2[%dma_start3A_45, %dma_start3A_46] : memref<10240x64xf32, #tpu.memory_space<hbm>> -> memref<10240x64xf32, #tpu.memory_space<hbm>>
      tpu.enqueue_indirect_dma source(%dma_start3A_47 : memref<10240x64xf32, #tpu.memory_space<hbm>>) target(%arg15 : memref<128x64xf32, #tpu.memory_space<vmem>>) offsets(%dma_start3A_44 : memref<128xi32, #tpu.memory_space<vmem>>) semaphore(%arg17 : memref<!tpu.dma_semaphore, #tpu.memory_space<semaphore_mem>>)
      %dma_wait3A = arith.constant 0 : i32
      %dma_wait3A_48 = tpu.memref_slice %arg11[%while3A_42, %dma_wait3A] : memref<88x128xi32, #tpu.memory_space<vmem>> -> memref<1x128xi32, #tpu.memory_space<vmem>>
      %dma_wait3A_49 = tpu.memref_squeeze %dma_wait3A_48 : memref<1x128xi32, #tpu.memory_space<vmem>> -> memref<128xi32, #tpu.memory_space<vmem>>
      %dma_wait3A_50 = arith.constant 0 : i32
      %dma_wait3A_51 = arith.constant 0 : i32
      %dma_wait3A_52 = tpu.memref_slice %arg2[%dma_wait3A_50, %dma_wait3A_51] : memref<10240x64xf32, #tpu.memory_space<hbm>> -> memref<10240x64xf32, #tpu.memory_space<hbm>>
      tpu.wait_indirect_dma semaphore(%arg17 : memref<!tpu.dma_semaphore, #tpu.memory_space<semaphore_mem>>) src(%dma_wait3A_52 : memref<10240x64xf32, #tpu.memory_space<hbm>>) dst(%arg15 : memref<128x64xf32, #tpu.memory_space<vmem>>)
      "tpu.region"() ({
        %run_scoped3A = tpu.sem_alloc : memref<!tpu.dma_semaphore, #tpu.memory_space<semaphore_mem>>
        %dma_start3A_137 = arith.constant 0 : i32
        %dma_start3A_138 = tpu.memref_slice %arg12[%while3A_42, %dma_start3A_137] : memref<88x128xi32, #tpu.memory_space<vmem>> -> memref<1x128xi32, #tpu.memory_space<vmem>>
        %dma_start3A_139 = tpu.memref_squeeze %dma_start3A_138 : memref<1x128xi32, #tpu.memory_space<vmem>> -> memref<128xi32, #tpu.memory_space<vmem>>
        %dma_start3A_140 = arith.constant 0 : i32
        %dma_start3A_141 = arith.constant 0 : i32
        %dma_start3A_142 = tpu.memref_slice %arg16[%dma_start3A_140, %dma_start3A_141] : memref<10240x64xf32, #tpu.memory_space<vmem_shared>> -> memref<10240x64xf32, #tpu.memory_space<vmem_shared>>
        tpu.enqueue_indirect_dma source(%arg15 : memref<128x64xf32, #tpu.memory_space<vmem>>) target(%dma_start3A_142 : memref<10240x64xf32, #tpu.memory_space<vmem_shared>>) offsets(%dma_start3A_139 : memref<128xi32, #tpu.memory_space<vmem>>) semaphore(%run_scoped3A : memref<!tpu.dma_semaphore, #tpu.memory_space<semaphore_mem>>) {add = true}
        %dma_wait3A_143 = arith.constant 0 : i32
        %dma_wait3A_144 = tpu.memref_slice %arg12[%while3A_42, %dma_wait3A_143] : memref<88x128xi32, #tpu.memory_space<vmem>> -> memref<1x128xi32, #tpu.memory_space<vmem>>
        %dma_wait3A_145 = tpu.memref_squeeze %dma_wait3A_144 : memref<1x128xi32, #tpu.memory_space<vmem>> -> memref<128xi32, #tpu.memory_space<vmem>>
        %dma_wait3A_146 = arith.constant 0 : i32
        %dma_wait3A_147 = arith.constant 0 : i32
        %dma_wait3A_148 = tpu.memref_slice %arg16[%dma_wait3A_146, %dma_wait3A_147] : memref<10240x64xf32, #tpu.memory_space<vmem_shared>> -> memref<10240x64xf32, #tpu.memory_space<vmem_shared>>
        tpu.wait_indirect_dma semaphore(%run_scoped3A : memref<!tpu.dma_semaphore, #tpu.memory_space<semaphore_mem>>) src(%arg15 : memref<128x64xf32, #tpu.memory_space<vmem>>) dst(%dma_wait3A_148 : memref<10240x64xf32, #tpu.memory_space<vmem_shared>>)
        tpu.yield
      }) : () -> ()
      %get3A = arith.index_cast %while3A_42 : i32 to index
      %get3A_53 = arith.constant 0 : index
      %get3A_54 = tpu.vector_load %arg11[%get3A, %get3A_53] {strides = array<i32>} : memref<88x128xi32, #tpu.memory_space<vmem>>, vector<16xi32>,
      %get3A_55 = arith.index_cast %while3A_42 : i32 to index
      %get3A_56 = arith.constant 0 : index
      %get3A_57 = tpu.vector_load %arg12[%get3A_55, %get3A_56] {strides = array<i32>} : memref<88x128xi32, #tpu.memory_space<vmem>>, vector<16xi32>,
      %shift_right_arithmetic3A = arith.shrsi %get3A_54, %broadcast_in_dim3A_17 : vector<16xi32>
      %and3A = arith.andi %get3A_54, %broadcast_in_dim3A_19 : vector<16xi32>
      %gather3A = tpu.vector_load_idx %arg13[%shift_right_arithmetic3A, %and3A] : memref<80x128xf32, #tpu.memory_space<vmem>>[vector<16xi32>, vector<16xi32>], vector<16xf32>,
      %shift_right_arithmetic3A_58 = arith.shrsi %get3A_57, %broadcast_in_dim3A_17 : vector<16xi32>
      %and3A_59 = arith.andi %get3A_57, %broadcast_in_dim3A_19 : vector<16xi32>
      tpu.vector_store_idx %arg14[%shift_right_arithmetic3A_58, %and3A_59], %gather3A {add = true} : memref<80x128xf32, #tpu.memory_space<vmem>>[vector<16xi32>, vector<16xi32>], vector<16xf32>,
      %get3A_60 = arith.index_cast %while3A_42 : i32 to index
      %get3A_61 = arith.constant 16 : index
      %get3A_62 = tpu.vector_load %arg11[%get3A_60, %get3A_61] {strides = array<i32>} : memref<88x128xi32, #tpu.memory_space<vmem>>, vector<16xi32>,
      %get3A_63 = arith.index_cast %while3A_42 : i32 to index
      %get3A_64 = arith.constant 16 : index
      %get3A_65 = tpu.vector_load %arg12[%get3A_63, %get3A_64] {strides = array<i32>} : memref<88x128xi32, #tpu.memory_space<vmem>>, vector<16xi32>,
      %shift_right_arithmetic3A_66 = arith.shrsi %get3A_62, %broadcast_in_dim3A_17 : vector<16xi32>
      %and3A_67 = arith.andi %get3A_62, %broadcast_in_dim3A_19 : vector<16xi32>
      %gather3A_68 = tpu.vector_load_idx %arg13[%shift_right_arithmetic3A_66, %and3A_67] : memref<80x128xf32, #tpu.memory_space<vmem>>[vector<16xi32>, vector<16xi32>], vector<16xf32>,
      %shift_right_arithmetic3A_69 = arith.shrsi %get3A_65, %broadcast_in_dim3A_17 : vector<16xi32>
      %and3A_70 = arith.andi %get3A_65, %broadcast_in_dim3A_19 : vector<16xi32>
      tpu.vector_store_idx %arg14[%shift_right_arithmetic3A_69, %and3A_70], %gather3A_68 {add = true} : memref<80x128xf32, #tpu.memory_space<vmem>>[vector<16xi32>, vector<16xi32>], vector<16xf32>,
      %get3A_71 = arith.index_cast %while3A_42 : i32 to index
      %get3A_72 = arith.constant 32 : index
      %get3A_73 = tpu.vector_load %arg11[%get3A_71, %get3A_72] {strides = array<i32>} : memref<88x128xi32, #tpu.memory_space<vmem>>, vector<16xi32>,
      %get3A_74 = arith.index_cast %while3A_42 : i32 to index
      %get3A_75 = arith.constant 32 : index
      %get3A_76 = tpu.vector_load %arg12[%get3A_74, %get3A_75] {strides = array<i32>} : memref<88x128xi32, #tpu.memory_space<vmem>>, vector<16xi32>,
      %shift_right_arithmetic3A_77 = arith.shrsi %get3A_73, %broadcast_in_dim3A_17 : vector<16xi32>
      %and3A_78 = arith.andi %get3A_73, %broadcast_in_dim3A_19 : vector<16xi32>
      %gather3A_79 = tpu.vector_load_idx %arg13[%shift_right_arithmetic3A_77, %and3A_78] : memref<80x128xf32, #tpu.memory_space<vmem>>[vector<16xi32>, vector<16xi32>], vector<16xf32>,
      %shift_right_arithmetic3A_80 = arith.shrsi %get3A_76, %broadcast_in_dim3A_17 : vector<16xi32>
      %and3A_81 = arith.andi %get3A_76, %broadcast_in_dim3A_19 : vector<16xi32>
      tpu.vector_store_idx %arg14[%shift_right_arithmetic3A_80, %and3A_81], %gather3A_79 {add = true} : memref<80x128xf32, #tpu.memory_space<vmem>>[vector<16xi32>, vector<16xi32>], vector<16xf32>,
      %get3A_82 = arith.index_cast %while3A_42 : i32 to index
      %get3A_83 = arith.constant 48 : index
      %get3A_84 = tpu.vector_load %arg11[%get3A_82, %get3A_83] {strides = array<i32>} : memref<88x128xi32, #tpu.memory_space<vmem>>, vector<16xi32>,
      %get3A_85 = arith.index_cast %while3A_42 : i32 to index
      %get3A_86 = arith.constant 48 : index
      %get3A_87 = tpu.vector_load %arg12[%get3A_85, %get3A_86] {strides = array<i32>} : memref<88x128xi32, #tpu.memory_space<vmem>>, vector<16xi32>,
      %shift_right_arithmetic3A_88 = arith.shrsi %get3A_84, %broadcast_in_dim3A_17 : vector<16xi32>
      %and3A_89 = arith.andi %get3A_84, %broadcast_in_dim3A_19 : vector<16xi32>
      %gather3A_90 = tpu.vector_load_idx %arg13[%shift_right_arithmetic3A_88, %and3A_89] : memref<80x128xf32, #tpu.memory_space<vmem>>[vector<16xi32>, vector<16xi32>], vector<16xf32>,
      %shift_right_arithmetic3A_91 = arith.shrsi %get3A_87, %broadcast_in_dim3A_17 : vector<16xi32>
      %and3A_92 = arith.andi %get3A_87, %broadcast_in_dim3A_19 : vector<16xi32>
      tpu.vector_store_idx %arg14[%shift_right_arithmetic3A_91, %and3A_92], %gather3A_90 {add = true} : memref<80x128xf32, #tpu.memory_space<vmem>>[vector<16xi32>, vector<16xi32>], vector<16xf32>,
      %get3A_93 = arith.index_cast %while3A_42 : i32 to index
      %get3A_94 = arith.constant 64 : index
      %get3A_95 = tpu.vector_load %arg11[%get3A_93, %get3A_94] {strides = array<i32>} : memref<88x128xi32, #tpu.memory_space<vmem>>, vector<16xi32>,
      %get3A_96 = arith.index_cast %while3A_42 : i32 to index
      %get3A_97 = arith.constant 64 : index
      %get3A_98 = tpu.vector_load %arg12[%get3A_96, %get3A_97] {strides = array<i32>} : memref<88x128xi32, #tpu.memory_space<vmem>>, vector<16xi32>,
      %shift_right_arithmetic3A_99 = arith.shrsi %get3A_95, %broadcast_in_dim3A_17 : vector<16xi32>
      %and3A_100 = arith.andi %get3A_95, %broadcast_in_dim3A_19 : vector<16xi32>
      %gather3A_101 = tpu.vector_load_idx %arg13[%shift_right_arithmetic3A_99, %and3A_100] : memref<80x128xf32, #tpu.memory_space<vmem>>[vector<16xi32>, vector<16xi32>], vector<16xf32>,
      %shift_right_arithmetic3A_102 = arith.shrsi %get3A_98, %broadcast_in_dim3A_17 : vector<16xi32>
      %and3A_103 = arith.andi %get3A_98, %broadcast_in_dim3A_19 : vector<16xi32>
      tpu.vector_store_idx %arg14[%shift_right_arithmetic3A_102, %and3A_103], %gather3A_101 {add = true} : memref<80x128xf32, #tpu.memory_space<vmem>>[vector<16xi32>, vector<16xi32>], vector<16xf32>,
      %get3A_104 = arith.index_cast %while3A_42 : i32 to index
      %get3A_105 = arith.constant 80 : index
      %get3A_106 = tpu.vector_load %arg11[%get3A_104, %get3A_105] {strides = array<i32>} : memref<88x128xi32, #tpu.memory_space<vmem>>, vector<16xi32>,
      %get3A_107 = arith.index_cast %while3A_42 : i32 to index
      %get3A_108 = arith.constant 80 : index
      %get3A_109 = tpu.vector_load %arg12[%get3A_107, %get3A_108] {strides = array<i32>} : memref<88x128xi32, #tpu.memory_space<vmem>>, vector<16xi32>,
      %shift_right_arithmetic3A_110 = arith.shrsi %get3A_106, %broadcast_in_dim3A_17 : vector<16xi32>
      %and3A_111 = arith.andi %get3A_106, %broadcast_in_dim3A_19 : vector<16xi32>
      %gather3A_112 = tpu.vector_load_idx %arg13[%shift_right_arithmetic3A_110, %and3A_111] : memref<80x128xf32, #tpu.memory_space<vmem>>[vector<16xi32>, vector<16xi32>], vector<16xf32>,
      %shift_right_arithmetic3A_113 = arith.shrsi %get3A_109, %broadcast_in_dim3A_17 : vector<16xi32>
      %and3A_114 = arith.andi %get3A_109, %broadcast_in_dim3A_19 : vector<16xi32>
      tpu.vector_store_idx %arg14[%shift_right_arithmetic3A_113, %and3A_114], %gather3A_112 {add = true} : memref<80x128xf32, #tpu.memory_space<vmem>>[vector<16xi32>, vector<16xi32>], vector<16xf32>,
      %get3A_115 = arith.index_cast %while3A_42 : i32 to index
      %get3A_116 = arith.constant 96 : index
      %get3A_117 = tpu.vector_load %arg11[%get3A_115, %get3A_116] {strides = array<i32>} : memref<88x128xi32, #tpu.memory_space<vmem>>, vector<16xi32>,
      %get3A_118 = arith.index_cast %while3A_42 : i32 to index
      %get3A_119 = arith.constant 96 : index
      %get3A_120 = tpu.vector_load %arg12[%get3A_118, %get3A_119] {strides = array<i32>} : memref<88x128xi32, #tpu.memory_space<vmem>>, vector<16xi32>,
      %shift_right_arithmetic3A_121 = arith.shrsi %get3A_117, %broadcast_in_dim3A_17 : vector<16xi32>
      %and3A_122 = arith.andi %get3A_117, %broadcast_in_dim3A_19 : vector<16xi32>
      %gather3A_123 = tpu.vector_load_idx %arg13[%shift_right_arithmetic3A_121, %and3A_122] : memref<80x128xf32, #tpu.memory_space<vmem>>[vector<16xi32>, vector<16xi32>], vector<16xf32>,
      %shift_right_arithmetic3A_124 = arith.shrsi %get3A_120, %broadcast_in_dim3A_17 : vector<16xi32>
      %and3A_125 = arith.andi %get3A_120, %broadcast_in_dim3A_19 : vector<16xi32>
      tpu.vector_store_idx %arg14[%shift_right_arithmetic3A_124, %and3A_125], %gather3A_123 {add = true} : memref<80x128xf32, #tpu.memory_space<vmem>>[vector<16xi32>, vector<16xi32>], vector<16xf32>,
      %get3A_126 = arith.index_cast %while3A_42 : i32 to index
      %get3A_127 = arith.constant 112 : index
      %get3A_128 = tpu.vector_load %arg11[%get3A_126, %get3A_127] {strides = array<i32>} : memref<88x128xi32, #tpu.memory_space<vmem>>, vector<16xi32>,
      %get3A_129 = arith.index_cast %while3A_42 : i32 to index
      %get3A_130 = arith.constant 112 : index
      %get3A_131 = tpu.vector_load %arg12[%get3A_129, %get3A_130] {strides = array<i32>} : memref<88x128xi32, #tpu.memory_space<vmem>>, vector<16xi32>,
      %shift_right_arithmetic3A_132 = arith.shrsi %get3A_128, %broadcast_in_dim3A_17 : vector<16xi32>
      %and3A_133 = arith.andi %get3A_128, %broadcast_in_dim3A_19 : vector<16xi32>
      %gather3A_134 = tpu.vector_load_idx %arg13[%shift_right_arithmetic3A_132, %and3A_133] : memref<80x128xf32, #tpu.memory_space<vmem>>[vector<16xi32>, vector<16xi32>], vector<16xf32>,
      %shift_right_arithmetic3A_135 = arith.shrsi %get3A_131, %broadcast_in_dim3A_17 : vector<16xi32>
      %and3A_136 = arith.andi %get3A_131, %broadcast_in_dim3A_19 : vector<16xi32>
      tpu.vector_store_idx %arg14[%shift_right_arithmetic3A_135, %and3A_136], %gather3A_134 {add = true} : memref<80x128xf32, #tpu.memory_space<vmem>>[vector<16xi32>, vector<16xi32>], vector<16xf32>,
    }
    %barrier3A_29 = arith.constant 0 : index
    tpu.barrier barrier_id(%barrier3A_29)
    "tpu.region"() ({
      %run_scoped3A = tpu.sem_alloc : memref<!tpu.dma_semaphore, #tpu.memory_space<semaphore_mem>>
      %dma_start3A = arith.constant 0 : i32
      %dma_start3A_42 = tpu.memref_slice %arg8[%arg0, %mul3A_9, %dma_start3A] : memref<2x10240x64xf32, #tpu.memory_space<hbm>> -> memref<1x640x64xf32, #tpu.memory_space<hbm>>
      %dma_start3A_43 = tpu.memref_squeeze %dma_start3A_42 : memref<1x640x64xf32, #tpu.memory_space<hbm>> -> memref<640x64xf32, #tpu.memory_space<hbm>>
      %dma_start3A_44 = arith.constant 0 : i32
      %dma_start3A_45 = tpu.memref_slice %arg16[%mul3A_9, %dma_start3A_44] : memref<10240x64xf32, #tpu.memory_space<vmem_shared>> -> memref<640x64xf32, #tpu.memory_space<vmem_shared>>
      tpu.enqueue_dma source(%dma_start3A_45 : memref<640x64xf32, #tpu.memory_space<vmem_shared>>) target(%dma_start3A_43 : memref<640x64xf32, #tpu.memory_space<hbm>>) target_semaphore(%run_scoped3A : memref<!tpu.dma_semaphore, #tpu.memory_space<semaphore_mem>>)
      %dma_wait3A = arith.constant 0 : i32
      %dma_wait3A_46 = tpu.memref_slice %arg8[%arg0, %mul3A_9, %dma_wait3A] : memref<2x10240x64xf32, #tpu.memory_space<hbm>> -> memref<1x640x64xf32, #tpu.memory_space<hbm>>
      %dma_wait3A_47 = tpu.memref_squeeze %dma_wait3A_46 : memref<1x640x64xf32, #tpu.memory_space<hbm>> -> memref<640x64xf32, #tpu.memory_space<hbm>>
      %dma_wait3A_48 = arith.constant 0 : i32
      %dma_wait3A_49 = tpu.memref_slice %arg16[%mul3A_9, %dma_wait3A_48] : memref<10240x64xf32, #tpu.memory_space<vmem_shared>> -> memref<640x64xf32, #tpu.memory_space<vmem_shared>>
      tpu.wait_dma2 semaphore(%run_scoped3A : memref<!tpu.dma_semaphore, #tpu.memory_space<semaphore_mem>>) src(%dma_wait3A_49 : memref<640x64xf32, #tpu.memory_space<vmem_shared>>) dst(%dma_wait3A_47 : memref<640x64xf32, #tpu.memory_space<hbm>>)
      tpu.yield
    }) : () -> ()
    "tpu.region"() ({
      %run_scoped3A = tpu.sem_alloc : memref<!tpu.dma_semaphore, #tpu.memory_space<semaphore_mem>>
      %dma_start3A = arith.constant 0 : i32
      %dma_start3A_42 = tpu.memref_slice %arg16[%mul3A_9, %dma_start3A] : memref<10240x64xf32, #tpu.memory_space<vmem_shared>> -> memref<640x64xf32, #tpu.memory_space<vmem_shared>>
      tpu.enqueue_dma source(%arg7 : memref<640x64xf32, #tpu.memory_space<hbm>>) target(%dma_start3A_42 : memref<640x64xf32, #tpu.memory_space<vmem_shared>>) target_semaphore(%run_scoped3A : memref<!tpu.dma_semaphore, #tpu.memory_space<semaphore_mem>>)
      %dma_wait3A = arith.constant 0 : i32
      %dma_wait3A_43 = tpu.memref_slice %arg16[%mul3A_9, %dma_wait3A] : memref<10240x64xf32, #tpu.memory_space<vmem_shared>> -> memref<640x64xf32, #tpu.memory_space<vmem_shared>>
      tpu.wait_dma2 semaphore(%run_scoped3A : memref<!tpu.dma_semaphore, #tpu.memory_space<semaphore_mem>>) src(%arg7 : memref<640x64xf32, #tpu.memory_space<hbm>>) dst(%dma_wait3A_43 : memref<640x64xf32, #tpu.memory_space<vmem_shared>>)
      tpu.yield
    }) : () -> ()
    %barrier3A_30 = arith.constant 0 : index
    tpu.barrier barrier_id(%barrier3A_30)
    %while3A_31 = arith.constant 0 : i32
    %while3A_32 = arith.constant 0 : i32
    %while3A_33 = arith.subi %select_n3A, %while3A_32 : i32
    %while3A_34 = arith.addi %while3A_32, %while3A_33 : i32
    %while3A_35 = arith.constant 1 : i32
    %while3A_36 = arith.divsi %while3A_33, %while3A_35 : i32
    %while3A_37 = arith.muli %while3A_36, %while3A_35 : i32
    %while3A_38 = arith.addi %while3A_32, %while3A_37 : i32
    %while3A_39 = arith.constant 1 : i32
    scf.for %while3A_42 = %while3A_32 to %while3A_38 step %while3A_39  : i32 {
      %dma_start3A = arith.constant 0 : i32
      %dma_start3A_43 = tpu.memref_slice %arg11[%while3A_42, %dma_start3A] : memref<88x128xi32, #tpu.memory_space<vmem>> -> memref<1x128xi32, #tpu.memory_space<vmem>>
      %dma_start3A_44 = tpu.memref_squeeze %dma_start3A_43 : memref<1x128xi32, #tpu.memory_space<vmem>> -> memref<128xi32, #tpu.memory_space<vmem>>
      %dma_start3A_45 = arith.constant 0 : i32
      %dma_start3A_46 = arith.constant 0 : i32
      %dma_start3A_47 = tpu.memref_slice %arg3[%dma_start3A_45, %dma_start3A_46] : memref<10240x64xf32, #tpu.memory_space<hbm>> -> memref<10240x64xf32, #tpu.memory_space<hbm>>
      tpu.enqueue_indirect_dma source(%dma_start3A_47 : memref<10240x64xf32, #tpu.memory_space<hbm>>) target(%arg15 : memref<128x64xf32, #tpu.memory_space<vmem>>) offsets(%dma_start3A_44 : memref<128xi32, #tpu.memory_space<vmem>>) semaphore(%arg17 : memref<!tpu.dma_semaphore, #tpu.memory_space<semaphore_mem>>)
      %dma_wait3A = arith.constant 0 : i32
      %dma_wait3A_48 = tpu.memref_slice %arg11[%while3A_42, %dma_wait3A] : memref<88x128xi32, #tpu.memory_space<vmem>> -> memref<1x128xi32, #tpu.memory_space<vmem>>
      %dma_wait3A_49 = tpu.memref_squeeze %dma_wait3A_48 : memref<1x128xi32, #tpu.memory_space<vmem>> -> memref<128xi32, #tpu.memory_space<vmem>>
      %dma_wait3A_50 = arith.constant 0 : i32
      %dma_wait3A_51 = arith.constant 0 : i32
      %dma_wait3A_52 = tpu.memref_slice %arg3[%dma_wait3A_50, %dma_wait3A_51] : memref<10240x64xf32, #tpu.memory_space<hbm>> -> memref<10240x64xf32, #tpu.memory_space<hbm>>
      tpu.wait_indirect_dma semaphore(%arg17 : memref<!tpu.dma_semaphore, #tpu.memory_space<semaphore_mem>>) src(%dma_wait3A_52 : memref<10240x64xf32, #tpu.memory_space<hbm>>) dst(%arg15 : memref<128x64xf32, #tpu.memory_space<vmem>>)
      "tpu.region"() ({
        %run_scoped3A = tpu.sem_alloc : memref<!tpu.dma_semaphore, #tpu.memory_space<semaphore_mem>>
        %dma_start3A_53 = arith.constant 0 : i32
        %dma_start3A_54 = tpu.memref_slice %arg12[%while3A_42, %dma_start3A_53] : memref<88x128xi32, #tpu.memory_space<vmem>> -> memref<1x128xi32, #tpu.memory_space<vmem>>
        %dma_start3A_55 = tpu.memref_squeeze %dma_start3A_54 : memref<1x128xi32, #tpu.memory_space<vmem>> -> memref<128xi32, #tpu.memory_space<vmem>>
        %dma_start3A_56 = arith.constant 0 : i32
        %dma_start3A_57 = arith.constant 0 : i32
        %dma_start3A_58 = tpu.memref_slice %arg16[%dma_start3A_56, %dma_start3A_57] : memref<10240x64xf32, #tpu.memory_space<vmem_shared>> -> memref<10240x64xf32, #tpu.memory_space<vmem_shared>>
        tpu.enqueue_indirect_dma source(%arg15 : memref<128x64xf32, #tpu.memory_space<vmem>>) target(%dma_start3A_58 : memref<10240x64xf32, #tpu.memory_space<vmem_shared>>) offsets(%dma_start3A_55 : memref<128xi32, #tpu.memory_space<vmem>>) semaphore(%run_scoped3A : memref<!tpu.dma_semaphore, #tpu.memory_space<semaphore_mem>>) {add = true}
        %dma_wait3A_59 = arith.constant 0 : i32
        %dma_wait3A_60 = tpu.memref_slice %arg12[%while3A_42, %dma_wait3A_59] : memref<88x128xi32, #tpu.memory_space<vmem>> -> memref<1x128xi32, #tpu.memory_space<vmem>>
        %dma_wait3A_61 = tpu.memref_squeeze %dma_wait3A_60 : memref<1x128xi32, #tpu.memory_space<vmem>> -> memref<128xi32, #tpu.memory_space<vmem>>
        %dma_wait3A_62 = arith.constant 0 : i32
        %dma_wait3A_63 = arith.constant 0 : i32
        %dma_wait3A_64 = tpu.memref_slice %arg16[%dma_wait3A_62, %dma_wait3A_63] : memref<10240x64xf32, #tpu.memory_space<vmem_shared>> -> memref<10240x64xf32, #tpu.memory_space<vmem_shared>>
        tpu.wait_indirect_dma semaphore(%run_scoped3A : memref<!tpu.dma_semaphore, #tpu.memory_space<semaphore_mem>>) src(%arg15 : memref<128x64xf32, #tpu.memory_space<vmem>>) dst(%dma_wait3A_64 : memref<10240x64xf32, #tpu.memory_space<vmem_shared>>)
        tpu.yield
      }) : () -> ()
    }
    %while3A_40 = arith.constant 1 : i32
    scf.for %while3A_42 = %while3A_38 to %while3A_34 step %while3A_40  : i32 {
      %dma_start3A = arith.constant 0 : i32
      %dma_start3A_43 = tpu.memref_slice %arg11[%while3A_42, %dma_start3A] : memref<88x128xi32, #tpu.memory_space<vmem>> -> memref<1x128xi32, #tpu.memory_space<vmem>>
      %dma_start3A_44 = tpu.memref_squeeze %dma_start3A_43 : memref<1x128xi32, #tpu.memory_space<vmem>> -> memref<128xi32, #tpu.memory_space<vmem>>
      %dma_start3A_45 = arith.constant 0 : i32
      %dma_start3A_46 = arith.constant 0 : i32
      %dma_start3A_47 = tpu.memref_slice %arg3[%dma_start3A_45, %dma_start3A_46] : memref<10240x64xf32, #tpu.memory_space<hbm>> -> memref<10240x64xf32, #tpu.memory_space<hbm>>
      tpu.enqueue_indirect_dma source(%dma_start3A_47 : memref<10240x64xf32, #tpu.memory_space<hbm>>) target(%arg15 : memref<128x64xf32, #tpu.memory_space<vmem>>) offsets(%dma_start3A_44 : memref<128xi32, #tpu.memory_space<vmem>>) semaphore(%arg17 : memref<!tpu.dma_semaphore, #tpu.memory_space<semaphore_mem>>)
      %dma_wait3A = arith.constant 0 : i32
      %dma_wait3A_48 = tpu.memref_slice %arg11[%while3A_42, %dma_wait3A] : memref<88x128xi32, #tpu.memory_space<vmem>> -> memref<1x128xi32, #tpu.memory_space<vmem>>
      %dma_wait3A_49 = tpu.memref_squeeze %dma_wait3A_48 : memref<1x128xi32, #tpu.memory_space<vmem>> -> memref<128xi32, #tpu.memory_space<vmem>>
      %dma_wait3A_50 = arith.constant 0 : i32
      %dma_wait3A_51 = arith.constant 0 : i32
      %dma_wait3A_52 = tpu.memref_slice %arg3[%dma_wait3A_50, %dma_wait3A_51] : memref<10240x64xf32, #tpu.memory_space<hbm>> -> memref<10240x64xf32, #tpu.memory_space<hbm>>
      tpu.wait_indirect_dma semaphore(%arg17 : memref<!tpu.dma_semaphore, #tpu.memory_space<semaphore_mem>>) src(%dma_wait3A_52 : memref<10240x64xf32, #tpu.memory_space<hbm>>) dst(%arg15 : memref<128x64xf32, #tpu.memory_space<vmem>>)
      "tpu.region"() ({
        %run_scoped3A = tpu.sem_alloc : memref<!tpu.dma_semaphore, #tpu.memory_space<semaphore_mem>>
        %dma_start3A_53 = arith.constant 0 : i32
        %dma_start3A_54 = tpu.memref_slice %arg12[%while3A_42, %dma_start3A_53] : memref<88x128xi32, #tpu.memory_space<vmem>> -> memref<1x128xi32, #tpu.memory_space<vmem>>
        %dma_start3A_55 = tpu.memref_squeeze %dma_start3A_54 : memref<1x128xi32, #tpu.memory_space<vmem>> -> memref<128xi32, #tpu.memory_space<vmem>>
        %dma_start3A_56 = arith.constant 0 : i32
        %dma_start3A_57 = arith.constant 0 : i32
        %dma_start3A_58 = tpu.memref_slice %arg16[%dma_start3A_56, %dma_start3A_57] : memref<10240x64xf32, #tpu.memory_space<vmem_shared>> -> memref<10240x64xf32, #tpu.memory_space<vmem_shared>>
        tpu.enqueue_indirect_dma source(%arg15 : memref<128x64xf32, #tpu.memory_space<vmem>>) target(%dma_start3A_58 : memref<10240x64xf32, #tpu.memory_space<vmem_shared>>) offsets(%dma_start3A_55 : memref<128xi32, #tpu.memory_space<vmem>>) semaphore(%run_scoped3A : memref<!tpu.dma_semaphore, #tpu.memory_space<semaphore_mem>>) {add = true}
        %dma_wait3A_59 = arith.constant 0 : i32
        %dma_wait3A_60 = tpu.memref_slice %arg12[%while3A_42, %dma_wait3A_59] : memref<88x128xi32, #tpu.memory_space<vmem>> -> memref<1x128xi32, #tpu.memory_space<vmem>>
        %dma_wait3A_61 = tpu.memref_squeeze %dma_wait3A_60 : memref<1x128xi32, #tpu.memory_space<vmem>> -> memref<128xi32, #tpu.memory_space<vmem>>
        %dma_wait3A_62 = arith.constant 0 : i32
        %dma_wait3A_63 = arith.constant 0 : i32
        %dma_wait3A_64 = tpu.memref_slice %arg16[%dma_wait3A_62, %dma_wait3A_63] : memref<10240x64xf32, #tpu.memory_space<vmem_shared>> -> memref<10240x64xf32, #tpu.memory_space<vmem_shared>>
        tpu.wait_indirect_dma semaphore(%run_scoped3A : memref<!tpu.dma_semaphore, #tpu.memory_space<semaphore_mem>>) src(%arg15 : memref<128x64xf32, #tpu.memory_space<vmem>>) dst(%dma_wait3A_64 : memref<10240x64xf32, #tpu.memory_space<vmem_shared>>)
        tpu.yield
      }) : () -> ()
    }
    %barrier3A_41 = arith.constant 0 : index
    tpu.barrier barrier_id(%barrier3A_41)
    "tpu.region"() ({
      %run_scoped3A = tpu.sem_alloc : memref<!tpu.dma_semaphore, #tpu.memory_space<semaphore_mem>>
      %dma_start3A = arith.constant 0 : i32
      %dma_start3A_42 = tpu.memref_slice %arg9[%arg0, %mul3A_9, %dma_start3A] : memref<2x10240x64xf32, #tpu.memory_space<hbm>> -> memref<1x640x64xf32, #tpu.memory_space<hbm>>
      %dma_start3A_43 = tpu.memref_squeeze %dma_start3A_42 : memref<1x640x64xf32, #tpu.memory_space<hbm>> -> memref<640x64xf32, #tpu.memory_space<hbm>>
      %dma_start3A_44 = arith.constant 0 : i32
      %dma_start3A_45 = tpu.memref_slice %arg16[%mul3A_9, %dma_start3A_44] : memref<10240x64xf32, #tpu.memory_space<vmem_shared>> -> memref<640x64xf32, #tpu.memory_space<vmem_shared>>
      tpu.enqueue_dma source(%dma_start3A_45 : memref<640x64xf32, #tpu.memory_space<vmem_shared>>) target(%dma_start3A_43 : memref<640x64xf32, #tpu.memory_space<hbm>>) target_semaphore(%run_scoped3A : memref<!tpu.dma_semaphore, #tpu.memory_space<semaphore_mem>>)
      %dma_wait3A = arith.constant 0 : i32
      %dma_wait3A_46 = tpu.memref_slice %arg9[%arg0, %mul3A_9, %dma_wait3A] : memref<2x10240x64xf32, #tpu.memory_space<hbm>> -> memref<1x640x64xf32, #tpu.memory_space<hbm>>
      %dma_wait3A_47 = tpu.memref_squeeze %dma_wait3A_46 : memref<1x640x64xf32, #tpu.memory_space<hbm>> -> memref<640x64xf32, #tpu.memory_space<hbm>>
      %dma_wait3A_48 = arith.constant 0 : i32
      %dma_wait3A_49 = tpu.memref_slice %arg16[%mul3A_9, %dma_wait3A_48] : memref<10240x64xf32, #tpu.memory_space<vmem_shared>> -> memref<640x64xf32, #tpu.memory_space<vmem_shared>>
      tpu.wait_dma2 semaphore(%run_scoped3A : memref<!tpu.dma_semaphore, #tpu.memory_space<semaphore_mem>>) src(%dma_wait3A_49 : memref<640x64xf32, #tpu.memory_space<vmem_shared>>) dst(%dma_wait3A_47 : memref<640x64xf32, #tpu.memory_space<hbm>>)
      tpu.yield
    }) : () -> ()
    "tpu.region"() ({
      %run_scoped3A = tpu.sem_alloc : memref<!tpu.dma_semaphore, #tpu.memory_space<semaphore_mem>>
      %dma_start3A = arith.constant 0 : i32
      %dma_start3A_42 = arith.constant 0 : i32
      %dma_start3A_43 = tpu.memref_slice %arg10[%add3A, %dma_start3A, %dma_start3A_42] : memref<32x80x128xf32, #tpu.memory_space<hbm>> -> memref<1x80x128xf32, #tpu.memory_space<hbm>>
      %dma_start3A_44 = tpu.memref_squeeze %dma_start3A_43 : memref<1x80x128xf32, #tpu.memory_space<hbm>> -> memref<80x128xf32, #tpu.memory_space<hbm>>
      %dma_start3A_45 = arith.constant 0 : i32
      %dma_start3A_46 = arith.constant 0 : i32
      %dma_start3A_47 = tpu.memref_slice %arg10[%add3A, %dma_start3A_45, %dma_start3A_46] : memref<32x80x128xf32, #tpu.memory_space<hbm>> -> memref<1x80x128xf32, #tpu.memory_space<hbm>>
      %dma_start3A_48 = tpu.memref_squeeze %dma_start3A_47 : memref<1x80x128xf32, #tpu.memory_space<hbm>> -> memref<80x128xf32, #tpu.memory_space<hbm>>
      tpu.enqueue_dma source(%arg14 : memref<80x128xf32, #tpu.memory_space<vmem>>) target(%dma_start3A_48 : memref<80x128xf32, #tpu.memory_space<hbm>>) target_semaphore(%run_scoped3A : memref<!tpu.dma_semaphore, #tpu.memory_space<semaphore_mem>>)
      %dma_wait3A = arith.constant 0 : i32
      %dma_wait3A_49 = arith.constant 0 : i32
      %dma_wait3A_50 = tpu.memref_slice %arg10[%add3A, %dma_wait3A, %dma_wait3A_49] : memref<32x80x128xf32, #tpu.memory_space<hbm>> -> memref<1x80x128xf32, #tpu.memory_space<hbm>>
      %dma_wait3A_51 = tpu.memref_squeeze %dma_wait3A_50 : memref<1x80x128xf32, #tpu.memory_space<hbm>> -> memref<80x128xf32, #tpu.memory_space<hbm>>
      %dma_wait3A_52 = arith.constant 0 : i32
      %dma_wait3A_53 = arith.constant 0 : i32
      %dma_wait3A_54 = tpu.memref_slice %arg10[%add3A, %dma_wait3A_52, %dma_wait3A_53] : memref<32x80x128xf32, #tpu.memory_space<hbm>> -> memref<1x80x128xf32, #tpu.memory_space<hbm>>
      %dma_wait3A_55 = tpu.memref_squeeze %dma_wait3A_54 : memref<1x80x128xf32, #tpu.memory_space<hbm>> -> memref<80x128xf32, #tpu.memory_space<hbm>>
      tpu.wait_dma2 semaphore(%run_scoped3A : memref<!tpu.dma_semaphore, #tpu.memory_space<semaphore_mem>>) src(%arg14 : memref<80x128xf32, #tpu.memory_space<vmem>>) dst(%dma_wait3A_55 : memref<80x128xf32, #tpu.memory_space<hbm>>)
      tpu.yield
    }) : () -> ()
    return
  }
}

#map = affine_map<(d0, d1) -> (0)>
#map1 = affine_map<(d0, d1) -> (0, 0)>
#map2 = affine_map<(d0, d1) -> (0, 0, 0, 0)>
module attributes {stable_mosaic.version = 14 : i64} {
  func.func @_lambda_(%arg0: i32, %arg1: i32, %arg2: memref<20480xf32, #tpu.memory_space<hbm>>, %arg3: memref<2600x128xi32, #tpu.memory_space<hbm>>, %arg4: memref<2600x128xi32, #tpu.memory_space<hbm>>, %arg5: memref<32x2x80x128xf32, #tpu.memory_space<hbm>>, %arg6: memref<20480xf32, #tpu.memory_space<vmem>>, %arg7: memref<88x128xi32, #tpu.memory_space<vmem>>, %arg8: memref<88x128xi32, #tpu.memory_space<vmem>>, %arg9: memref<80x128xf32, #tpu.memory_space<vmem>>, %arg10: memref<80x128xf32, #tpu.memory_space<vmem>>) attributes {dimension_semantics = [#tpu.dimension_semantics<core_parallel>, #tpu.dimension_semantics<subcore_parallel>], iteration_bounds = array<i64: 2, 16>, scalar_prefetch = 0 : i64, scratch_operands = 5 : i64, tpu.core_type = #tpu.core_type<sc_vector_subcore>, window_params = [{transform_indices = #map}, {transform_indices = #map1}, {transform_indices = #map1}, {transform_indices = #map2}]} {
    %mul3A = arith.constant 2 : i32
    %mul3A_0 = arith.muli %arg1, %mul3A : i32
    %add3A = arith.addi %mul3A_0, %arg0 : i32
    %eq3A = arith.constant 0 : i32
    %eq3A_1 = arith.cmpi eq, %arg0, %eq3A : i32
    %jit3A = arith.constant 88 : i32
    %jit3A_2 = arith.constant 69 : i32
    %select_n3A = arith.select %eq3A_1, %jit3A, %jit3A_2 : i32
    %mul3A_3 = arith.constant 157 : i32
    %mul3A_4 = arith.muli %arg1, %mul3A_3 : i32
    %mul3A_5 = arith.constant 88 : i32
    %mul3A_6 = arith.muli %arg0, %mul3A_5 : i32
    %add3A_7 = arith.addi %mul3A_4, %mul3A_6 : i32
    "tpu.region"() ({
      %run_scoped3A_40 = tpu.sem_alloc : memref<!tpu.dma_semaphore, #tpu.memory_space<semaphore_mem>>
      tpu.enqueue_dma source(%arg2 : memref<20480xf32, #tpu.memory_space<hbm>>) target(%arg6 : memref<20480xf32, #tpu.memory_space<vmem>>) target_semaphore(%run_scoped3A_40 : memref<!tpu.dma_semaphore, #tpu.memory_space<semaphore_mem>>)
      tpu.wait_dma2 semaphore(%run_scoped3A_40 : memref<!tpu.dma_semaphore, #tpu.memory_space<semaphore_mem>>) src(%arg2 : memref<20480xf32, #tpu.memory_space<hbm>>) dst(%arg6 : memref<20480xf32, #tpu.memory_space<vmem>>)
      tpu.yield
    }) : () -> ()
    "tpu.region"() ({
      %run_scoped3A_40 = tpu.sem_alloc : memref<!tpu.dma_semaphore, #tpu.memory_space<semaphore_mem>>
      %dma_start3A = arith.constant 0 : i32
      %dma_start3A_41 = tpu.memref_slice %arg3[%add3A_7, %dma_start3A] : memref<2600x128xi32, #tpu.memory_space<hbm>> -> memref<88x128xi32, #tpu.memory_space<hbm>>
      %dma_start3A_42 = arith.constant 0 : i32
      %dma_start3A_43 = tpu.memref_slice %arg3[%add3A_7, %dma_start3A_42] : memref<2600x128xi32, #tpu.memory_space<hbm>> -> memref<88x128xi32, #tpu.memory_space<hbm>>
      tpu.enqueue_dma source(%dma_start3A_43 : memref<88x128xi32, #tpu.memory_space<hbm>>) target(%arg7 : memref<88x128xi32, #tpu.memory_space<vmem>>) target_semaphore(%run_scoped3A_40 : memref<!tpu.dma_semaphore, #tpu.memory_space<semaphore_mem>>)
      %dma_wait3A = arith.constant 0 : i32
      %dma_wait3A_44 = tpu.memref_slice %arg3[%add3A_7, %dma_wait3A] : memref<2600x128xi32, #tpu.memory_space<hbm>> -> memref<88x128xi32, #tpu.memory_space<hbm>>
      %dma_wait3A_45 = arith.constant 0 : i32
      %dma_wait3A_46 = tpu.memref_slice %arg3[%add3A_7, %dma_wait3A_45] : memref<2600x128xi32, #tpu.memory_space<hbm>> -> memref<88x128xi32, #tpu.memory_space<hbm>>
      tpu.wait_dma2 semaphore(%run_scoped3A_40 : memref<!tpu.dma_semaphore, #tpu.memory_space<semaphore_mem>>) src(%dma_wait3A_46 : memref<88x128xi32, #tpu.memory_space<hbm>>) dst(%arg7 : memref<88x128xi32, #tpu.memory_space<vmem>>)
      tpu.yield
    }) : () -> ()
    "tpu.region"() ({
      %run_scoped3A_40 = tpu.sem_alloc : memref<!tpu.dma_semaphore, #tpu.memory_space<semaphore_mem>>
      %dma_start3A = arith.constant 0 : i32
      %dma_start3A_41 = tpu.memref_slice %arg4[%add3A_7, %dma_start3A] : memref<2600x128xi32, #tpu.memory_space<hbm>> -> memref<88x128xi32, #tpu.memory_space<hbm>>
      %dma_start3A_42 = arith.constant 0 : i32
      %dma_start3A_43 = tpu.memref_slice %arg4[%add3A_7, %dma_start3A_42] : memref<2600x128xi32, #tpu.memory_space<hbm>> -> memref<88x128xi32, #tpu.memory_space<hbm>>
      tpu.enqueue_dma source(%dma_start3A_43 : memref<88x128xi32, #tpu.memory_space<hbm>>) target(%arg8 : memref<88x128xi32, #tpu.memory_space<vmem>>) target_semaphore(%run_scoped3A_40 : memref<!tpu.dma_semaphore, #tpu.memory_space<semaphore_mem>>)
      %dma_wait3A = arith.constant 0 : i32
      %dma_wait3A_44 = tpu.memref_slice %arg4[%add3A_7, %dma_wait3A] : memref<2600x128xi32, #tpu.memory_space<hbm>> -> memref<88x128xi32, #tpu.memory_space<hbm>>
      %dma_wait3A_45 = arith.constant 0 : i32
      %dma_wait3A_46 = tpu.memref_slice %arg4[%add3A_7, %dma_wait3A_45] : memref<2600x128xi32, #tpu.memory_space<hbm>> -> memref<88x128xi32, #tpu.memory_space<hbm>>
      tpu.wait_dma2 semaphore(%run_scoped3A_40 : memref<!tpu.dma_semaphore, #tpu.memory_space<semaphore_mem>>) src(%dma_wait3A_46 : memref<88x128xi32, #tpu.memory_space<hbm>>) dst(%arg8 : memref<88x128xi32, #tpu.memory_space<vmem>>)
      tpu.yield
    }) : () -> ()
    %broadcast_in_dim3A = arith.constant 0.000000e+00 : f32
    %broadcast_in_dim3A_8 = vector.broadcast %broadcast_in_dim3A : f32 to vector<16xf32>
    %scan3A = arith.constant 0 : i32
    %scan3A_9 = arith.constant 0 : i32
    %scan3A_10 = arith.constant 640 : i32
    %scan3A_11 = arith.addi %scan3A_9, %scan3A_10 : i32
    %scan3A_12 = arith.constant 1 : i32
    scf.for %scan3A_40 = %scan3A_9 to %scan3A_11 step %scan3A_12  : i32 {
      %jit3A_41 = arith.constant 8 : i32
      %div3A = arith.divsi %scan3A_40, %jit3A_41 : i32
      %sign3A = arith.constant 0 : i32
      %sign3A_42 = arith.cmpi sgt, %scan3A_40, %sign3A : i32
      %sign3A_43 = arith.extui %sign3A_42 : i1 to i32
      %sign3A_44 = arith.constant 0 : i32
      %sign3A_45 = arith.cmpi slt, %scan3A_40, %sign3A_44 : i32
      %sign3A_46 = arith.extui %sign3A_45 : i1 to i32
      %sign3A_47 = arith.subi %sign3A_43, %sign3A_46 : i32
      %sign3A_48 = arith.constant 0 : i32
      %sign3A_49 = arith.cmpi sgt, %jit3A_41, %sign3A_48 : i32
      %sign3A_50 = arith.extui %sign3A_49 : i1 to i32
      %sign3A_51 = arith.constant 0 : i32
      %sign3A_52 = arith.cmpi slt, %jit3A_41, %sign3A_51 : i32
      %sign3A_53 = arith.extui %sign3A_52 : i1 to i32
      %sign3A_54 = arith.subi %sign3A_50, %sign3A_53 : i32
      %ne3A = arith.cmpi ne, %sign3A_47, %sign3A_54 : i32
      %rem3A = arith.remsi %scan3A_40, %jit3A_41 : i32
      %ne3A_55 = arith.constant 0 : i32
      %ne3A_56 = arith.cmpi ne, %rem3A, %ne3A_55 : i32
      %and3A = arith.andi %ne3A, %ne3A_56 : i1
      %sub3A = arith.constant 1 : i32
      %sub3A_57 = arith.subi %div3A, %sub3A : i32
      %select_n3A_58 = arith.select %and3A, %sub3A_57, %div3A : i32
      %mul3A_59 = arith.constant 8 : i32
      %mul3A_60 = arith.muli %select_n3A_58, %mul3A_59 : i32
      %sub3A_61 = arith.subi %scan3A_40, %mul3A_60 : i32
      %mul3A_62 = arith.constant 16 : i32
      %mul3A_63 = arith.muli %sub3A_61, %mul3A_62 : i32
      %swap3A = arith.index_cast %select_n3A_58 : i32 to index
      %swap3A_64 = arith.index_cast %mul3A_63 : i32 to index
      %swap3A_65 = tpu.vector_load %arg9[%swap3A, %swap3A_64] {strides = array<i32>} : memref<80x128xf32, #tpu.memory_space<vmem>>, vector<16xf32>,
      tpu.vector_store %arg9[%swap3A, %swap3A_64], %broadcast_in_dim3A_8 {strides = array<i32>} : memref<80x128xf32, #tpu.memory_space<vmem>>, vector<16xf32>,
    }
    %scan3A_13 = arith.constant 640 : i32
    %broadcast_in_dim3A_14 = arith.constant 0.000000e+00 : f32
    %broadcast_in_dim3A_15 = vector.broadcast %broadcast_in_dim3A_14 : f32 to vector<16xf32>
    %scan3A_16 = arith.constant 0 : i32
    %scan3A_17 = arith.constant 0 : i32
    %scan3A_18 = arith.constant 640 : i32
    %scan3A_19 = arith.addi %scan3A_17, %scan3A_18 : i32
    %scan3A_20 = arith.constant 1 : i32
    scf.for %scan3A_40 = %scan3A_17 to %scan3A_19 step %scan3A_20  : i32 {
      %jit3A_41 = arith.constant 8 : i32
      %div3A = arith.divsi %scan3A_40, %jit3A_41 : i32
      %sign3A = arith.constant 0 : i32
      %sign3A_42 = arith.cmpi sgt, %scan3A_40, %sign3A : i32
      %sign3A_43 = arith.extui %sign3A_42 : i1 to i32
      %sign3A_44 = arith.constant 0 : i32
      %sign3A_45 = arith.cmpi slt, %scan3A_40, %sign3A_44 : i32
      %sign3A_46 = arith.extui %sign3A_45 : i1 to i32
      %sign3A_47 = arith.subi %sign3A_43, %sign3A_46 : i32
      %sign3A_48 = arith.constant 0 : i32
      %sign3A_49 = arith.cmpi sgt, %jit3A_41, %sign3A_48 : i32
      %sign3A_50 = arith.extui %sign3A_49 : i1 to i32
      %sign3A_51 = arith.constant 0 : i32
      %sign3A_52 = arith.cmpi slt, %jit3A_41, %sign3A_51 : i32
      %sign3A_53 = arith.extui %sign3A_52 : i1 to i32
      %sign3A_54 = arith.subi %sign3A_50, %sign3A_53 : i32
      %ne3A = arith.cmpi ne, %sign3A_47, %sign3A_54 : i32
      %rem3A = arith.remsi %scan3A_40, %jit3A_41 : i32
      %ne3A_55 = arith.constant 0 : i32
      %ne3A_56 = arith.cmpi ne, %rem3A, %ne3A_55 : i32
      %and3A = arith.andi %ne3A, %ne3A_56 : i1
      %sub3A = arith.constant 1 : i32
      %sub3A_57 = arith.subi %div3A, %sub3A : i32
      %select_n3A_58 = arith.select %and3A, %sub3A_57, %div3A : i32
      %mul3A_59 = arith.constant 8 : i32
      %mul3A_60 = arith.muli %select_n3A_58, %mul3A_59 : i32
      %sub3A_61 = arith.subi %scan3A_40, %mul3A_60 : i32
      %mul3A_62 = arith.constant 16 : i32
      %mul3A_63 = arith.muli %sub3A_61, %mul3A_62 : i32
      %swap3A = arith.index_cast %select_n3A_58 : i32 to index
      %swap3A_64 = arith.index_cast %mul3A_63 : i32 to index
      %swap3A_65 = tpu.vector_load %arg10[%swap3A, %swap3A_64] {strides = array<i32>} : memref<80x128xf32, #tpu.memory_space<vmem>>, vector<16xf32>,
      tpu.vector_store %arg10[%swap3A, %swap3A_64], %broadcast_in_dim3A_15 {strides = array<i32>} : memref<80x128xf32, #tpu.memory_space<vmem>>, vector<16xf32>,
    }
    %scan3A_21 = arith.constant 640 : i32
    %broadcast_in_dim3A_22 = arith.constant 2 : i32
    %broadcast_in_dim3A_23 = vector.broadcast %broadcast_in_dim3A_22 : i32 to vector<16xi32>
    %broadcast_in_dim3A_24 = arith.constant 1 : i32
    %broadcast_in_dim3A_25 = vector.broadcast %broadcast_in_dim3A_24 : i32 to vector<16xi32>
    %broadcast_in_dim3A_26 = arith.constant 7 : i32
    %broadcast_in_dim3A_27 = vector.broadcast %broadcast_in_dim3A_26 : i32 to vector<16xi32>
    %broadcast_in_dim3A_28 = arith.constant 127 : i32
    %broadcast_in_dim3A_29 = vector.broadcast %broadcast_in_dim3A_28 : i32 to vector<16xi32>
    %while3A = arith.constant 0 : i32
    %while3A_30 = arith.constant 0 : i32
    %while3A_31 = arith.subi %select_n3A, %while3A_30 : i32
    %while3A_32 = arith.addi %while3A_30, %while3A_31 : i32
    %while3A_33 = arith.constant 1 : i32
    %while3A_34 = arith.divsi %while3A_31, %while3A_33 : i32
    %while3A_35 = arith.muli %while3A_34, %while3A_33 : i32
    %while3A_36 = arith.addi %while3A_30, %while3A_35 : i32
    %while3A_37 = arith.constant 1 : i32
    scf.for %while3A_40 = %while3A_30 to %while3A_36 step %while3A_37  : i32 {
      %get3A = arith.index_cast %while3A_40 : i32 to index
      %get3A_41 = arith.constant 0 : index
      %get3A_42 = tpu.vector_load %arg7[%get3A, %get3A_41] {strides = array<i32>} : memref<88x128xi32, #tpu.memory_space<vmem>>, vector<16xi32>,
      %get3A_43 = arith.index_cast %while3A_40 : i32 to index
      %get3A_44 = arith.constant 0 : index
      %get3A_45 = tpu.vector_load %arg8[%get3A_43, %get3A_44] {strides = array<i32>} : memref<88x128xi32, #tpu.memory_space<vmem>>, vector<16xi32>,
      %mul3A_46 = arith.muli %get3A_42, %broadcast_in_dim3A_23 : vector<16xi32>
      %gather3A = tpu.vector_load_idx %arg6[%mul3A_46] : memref<20480xf32, #tpu.memory_space<vmem>>[vector<16xi32>], vector<16xf32>,
      %add3A_47 = arith.addi %mul3A_46, %broadcast_in_dim3A_25 : vector<16xi32>
      %gather3A_48 = tpu.vector_load_idx %arg6[%add3A_47] : memref<20480xf32, #tpu.memory_space<vmem>>[vector<16xi32>], vector<16xf32>,
      %shift_right_arithmetic3A = arith.shrsi %get3A_45, %broadcast_in_dim3A_27 : vector<16xi32>
      %and3A = arith.andi %get3A_45, %broadcast_in_dim3A_29 : vector<16xi32>
      tpu.vector_store_idx %arg9[%shift_right_arithmetic3A, %and3A], %gather3A {add = true} : memref<80x128xf32, #tpu.memory_space<vmem>>[vector<16xi32>, vector<16xi32>], vector<16xf32>,
      tpu.vector_store_idx %arg10[%shift_right_arithmetic3A, %and3A], %gather3A_48 {add = true} : memref<80x128xf32, #tpu.memory_space<vmem>>[vector<16xi32>, vector<16xi32>], vector<16xf32>,
      %get3A_49 = arith.index_cast %while3A_40 : i32 to index
      %get3A_50 = arith.constant 16 : index
      %get3A_51 = tpu.vector_load %arg7[%get3A_49, %get3A_50] {strides = array<i32>} : memref<88x128xi32, #tpu.memory_space<vmem>>, vector<16xi32>,
      %get3A_52 = arith.index_cast %while3A_40 : i32 to index
      %get3A_53 = arith.constant 16 : index
      %get3A_54 = tpu.vector_load %arg8[%get3A_52, %get3A_53] {strides = array<i32>} : memref<88x128xi32, #tpu.memory_space<vmem>>, vector<16xi32>,
      %mul3A_55 = arith.muli %get3A_51, %broadcast_in_dim3A_23 : vector<16xi32>
      %gather3A_56 = tpu.vector_load_idx %arg6[%mul3A_55] : memref<20480xf32, #tpu.memory_space<vmem>>[vector<16xi32>], vector<16xf32>,
      %add3A_57 = arith.addi %mul3A_55, %broadcast_in_dim3A_25 : vector<16xi32>
      %gather3A_58 = tpu.vector_load_idx %arg6[%add3A_57] : memref<20480xf32, #tpu.memory_space<vmem>>[vector<16xi32>], vector<16xf32>,
      %shift_right_arithmetic3A_59 = arith.shrsi %get3A_54, %broadcast_in_dim3A_27 : vector<16xi32>
      %and3A_60 = arith.andi %get3A_54, %broadcast_in_dim3A_29 : vector<16xi32>
      tpu.vector_store_idx %arg9[%shift_right_arithmetic3A_59, %and3A_60], %gather3A_56 {add = true} : memref<80x128xf32, #tpu.memory_space<vmem>>[vector<16xi32>, vector<16xi32>], vector<16xf32>,
      tpu.vector_store_idx %arg10[%shift_right_arithmetic3A_59, %and3A_60], %gather3A_58 {add = true} : memref<80x128xf32, #tpu.memory_space<vmem>>[vector<16xi32>, vector<16xi32>], vector<16xf32>,
      %get3A_61 = arith.index_cast %while3A_40 : i32 to index
      %get3A_62 = arith.constant 32 : index
      %get3A_63 = tpu.vector_load %arg7[%get3A_61, %get3A_62] {strides = array<i32>} : memref<88x128xi32, #tpu.memory_space<vmem>>, vector<16xi32>,
      %get3A_64 = arith.index_cast %while3A_40 : i32 to index
      %get3A_65 = arith.constant 32 : index
      %get3A_66 = tpu.vector_load %arg8[%get3A_64, %get3A_65] {strides = array<i32>} : memref<88x128xi32, #tpu.memory_space<vmem>>, vector<16xi32>,
      %mul3A_67 = arith.muli %get3A_63, %broadcast_in_dim3A_23 : vector<16xi32>
      %gather3A_68 = tpu.vector_load_idx %arg6[%mul3A_67] : memref<20480xf32, #tpu.memory_space<vmem>>[vector<16xi32>], vector<16xf32>,
      %add3A_69 = arith.addi %mul3A_67, %broadcast_in_dim3A_25 : vector<16xi32>
      %gather3A_70 = tpu.vector_load_idx %arg6[%add3A_69] : memref<20480xf32, #tpu.memory_space<vmem>>[vector<16xi32>], vector<16xf32>,
      %shift_right_arithmetic3A_71 = arith.shrsi %get3A_66, %broadcast_in_dim3A_27 : vector<16xi32>
      %and3A_72 = arith.andi %get3A_66, %broadcast_in_dim3A_29 : vector<16xi32>
      tpu.vector_store_idx %arg9[%shift_right_arithmetic3A_71, %and3A_72], %gather3A_68 {add = true} : memref<80x128xf32, #tpu.memory_space<vmem>>[vector<16xi32>, vector<16xi32>], vector<16xf32>,
      tpu.vector_store_idx %arg10[%shift_right_arithmetic3A_71, %and3A_72], %gather3A_70 {add = true} : memref<80x128xf32, #tpu.memory_space<vmem>>[vector<16xi32>, vector<16xi32>], vector<16xf32>,
      %get3A_73 = arith.index_cast %while3A_40 : i32 to index
      %get3A_74 = arith.constant 48 : index
      %get3A_75 = tpu.vector_load %arg7[%get3A_73, %get3A_74] {strides = array<i32>} : memref<88x128xi32, #tpu.memory_space<vmem>>, vector<16xi32>,
      %get3A_76 = arith.index_cast %while3A_40 : i32 to index
      %get3A_77 = arith.constant 48 : index
      %get3A_78 = tpu.vector_load %arg8[%get3A_76, %get3A_77] {strides = array<i32>} : memref<88x128xi32, #tpu.memory_space<vmem>>, vector<16xi32>,
      %mul3A_79 = arith.muli %get3A_75, %broadcast_in_dim3A_23 : vector<16xi32>
      %gather3A_80 = tpu.vector_load_idx %arg6[%mul3A_79] : memref<20480xf32, #tpu.memory_space<vmem>>[vector<16xi32>], vector<16xf32>,
      %add3A_81 = arith.addi %mul3A_79, %broadcast_in_dim3A_25 : vector<16xi32>
      %gather3A_82 = tpu.vector_load_idx %arg6[%add3A_81] : memref<20480xf32, #tpu.memory_space<vmem>>[vector<16xi32>], vector<16xf32>,
      %shift_right_arithmetic3A_83 = arith.shrsi %get3A_78, %broadcast_in_dim3A_27 : vector<16xi32>
      %and3A_84 = arith.andi %get3A_78, %broadcast_in_dim3A_29 : vector<16xi32>
      tpu.vector_store_idx %arg9[%shift_right_arithmetic3A_83, %and3A_84], %gather3A_80 {add = true} : memref<80x128xf32, #tpu.memory_space<vmem>>[vector<16xi32>, vector<16xi32>], vector<16xf32>,
      tpu.vector_store_idx %arg10[%shift_right_arithmetic3A_83, %and3A_84], %gather3A_82 {add = true} : memref<80x128xf32, #tpu.memory_space<vmem>>[vector<16xi32>, vector<16xi32>], vector<16xf32>,
      %get3A_85 = arith.index_cast %while3A_40 : i32 to index
      %get3A_86 = arith.constant 64 : index
      %get3A_87 = tpu.vector_load %arg7[%get3A_85, %get3A_86] {strides = array<i32>} : memref<88x128xi32, #tpu.memory_space<vmem>>, vector<16xi32>,
      %get3A_88 = arith.index_cast %while3A_40 : i32 to index
      %get3A_89 = arith.constant 64 : index
      %get3A_90 = tpu.vector_load %arg8[%get3A_88, %get3A_89] {strides = array<i32>} : memref<88x128xi32, #tpu.memory_space<vmem>>, vector<16xi32>,
      %mul3A_91 = arith.muli %get3A_87, %broadcast_in_dim3A_23 : vector<16xi32>
      %gather3A_92 = tpu.vector_load_idx %arg6[%mul3A_91] : memref<20480xf32, #tpu.memory_space<vmem>>[vector<16xi32>], vector<16xf32>,
      %add3A_93 = arith.addi %mul3A_91, %broadcast_in_dim3A_25 : vector<16xi32>
      %gather3A_94 = tpu.vector_load_idx %arg6[%add3A_93] : memref<20480xf32, #tpu.memory_space<vmem>>[vector<16xi32>], vector<16xf32>,
      %shift_right_arithmetic3A_95 = arith.shrsi %get3A_90, %broadcast_in_dim3A_27 : vector<16xi32>
      %and3A_96 = arith.andi %get3A_90, %broadcast_in_dim3A_29 : vector<16xi32>
      tpu.vector_store_idx %arg9[%shift_right_arithmetic3A_95, %and3A_96], %gather3A_92 {add = true} : memref<80x128xf32, #tpu.memory_space<vmem>>[vector<16xi32>, vector<16xi32>], vector<16xf32>,
      tpu.vector_store_idx %arg10[%shift_right_arithmetic3A_95, %and3A_96], %gather3A_94 {add = true} : memref<80x128xf32, #tpu.memory_space<vmem>>[vector<16xi32>, vector<16xi32>], vector<16xf32>,
      %get3A_97 = arith.index_cast %while3A_40 : i32 to index
      %get3A_98 = arith.constant 80 : index
      %get3A_99 = tpu.vector_load %arg7[%get3A_97, %get3A_98] {strides = array<i32>} : memref<88x128xi32, #tpu.memory_space<vmem>>, vector<16xi32>,
      %get3A_100 = arith.index_cast %while3A_40 : i32 to index
      %get3A_101 = arith.constant 80 : index
      %get3A_102 = tpu.vector_load %arg8[%get3A_100, %get3A_101] {strides = array<i32>} : memref<88x128xi32, #tpu.memory_space<vmem>>, vector<16xi32>,
      %mul3A_103 = arith.muli %get3A_99, %broadcast_in_dim3A_23 : vector<16xi32>
      %gather3A_104 = tpu.vector_load_idx %arg6[%mul3A_103] : memref<20480xf32, #tpu.memory_space<vmem>>[vector<16xi32>], vector<16xf32>,
      %add3A_105 = arith.addi %mul3A_103, %broadcast_in_dim3A_25 : vector<16xi32>
      %gather3A_106 = tpu.vector_load_idx %arg6[%add3A_105] : memref<20480xf32, #tpu.memory_space<vmem>>[vector<16xi32>], vector<16xf32>,
      %shift_right_arithmetic3A_107 = arith.shrsi %get3A_102, %broadcast_in_dim3A_27 : vector<16xi32>
      %and3A_108 = arith.andi %get3A_102, %broadcast_in_dim3A_29 : vector<16xi32>
      tpu.vector_store_idx %arg9[%shift_right_arithmetic3A_107, %and3A_108], %gather3A_104 {add = true} : memref<80x128xf32, #tpu.memory_space<vmem>>[vector<16xi32>, vector<16xi32>], vector<16xf32>,
      tpu.vector_store_idx %arg10[%shift_right_arithmetic3A_107, %and3A_108], %gather3A_106 {add = true} : memref<80x128xf32, #tpu.memory_space<vmem>>[vector<16xi32>, vector<16xi32>], vector<16xf32>,
      %get3A_109 = arith.index_cast %while3A_40 : i32 to index
      %get3A_110 = arith.constant 96 : index
      %get3A_111 = tpu.vector_load %arg7[%get3A_109, %get3A_110] {strides = array<i32>} : memref<88x128xi32, #tpu.memory_space<vmem>>, vector<16xi32>,
      %get3A_112 = arith.index_cast %while3A_40 : i32 to index
      %get3A_113 = arith.constant 96 : index
      %get3A_114 = tpu.vector_load %arg8[%get3A_112, %get3A_113] {strides = array<i32>} : memref<88x128xi32, #tpu.memory_space<vmem>>, vector<16xi32>,
      %mul3A_115 = arith.muli %get3A_111, %broadcast_in_dim3A_23 : vector<16xi32>
      %gather3A_116 = tpu.vector_load_idx %arg6[%mul3A_115] : memref<20480xf32, #tpu.memory_space<vmem>>[vector<16xi32>], vector<16xf32>,
      %add3A_117 = arith.addi %mul3A_115, %broadcast_in_dim3A_25 : vector<16xi32>
      %gather3A_118 = tpu.vector_load_idx %arg6[%add3A_117] : memref<20480xf32, #tpu.memory_space<vmem>>[vector<16xi32>], vector<16xf32>,
      %shift_right_arithmetic3A_119 = arith.shrsi %get3A_114, %broadcast_in_dim3A_27 : vector<16xi32>
      %and3A_120 = arith.andi %get3A_114, %broadcast_in_dim3A_29 : vector<16xi32>
      tpu.vector_store_idx %arg9[%shift_right_arithmetic3A_119, %and3A_120], %gather3A_116 {add = true} : memref<80x128xf32, #tpu.memory_space<vmem>>[vector<16xi32>, vector<16xi32>], vector<16xf32>,
      tpu.vector_store_idx %arg10[%shift_right_arithmetic3A_119, %and3A_120], %gather3A_118 {add = true} : memref<80x128xf32, #tpu.memory_space<vmem>>[vector<16xi32>, vector<16xi32>], vector<16xf32>,
      %get3A_121 = arith.index_cast %while3A_40 : i32 to index
      %get3A_122 = arith.constant 112 : index
      %get3A_123 = tpu.vector_load %arg7[%get3A_121, %get3A_122] {strides = array<i32>} : memref<88x128xi32, #tpu.memory_space<vmem>>, vector<16xi32>,
      %get3A_124 = arith.index_cast %while3A_40 : i32 to index
      %get3A_125 = arith.constant 112 : index
      %get3A_126 = tpu.vector_load %arg8[%get3A_124, %get3A_125] {strides = array<i32>} : memref<88x128xi32, #tpu.memory_space<vmem>>, vector<16xi32>,
      %mul3A_127 = arith.muli %get3A_123, %broadcast_in_dim3A_23 : vector<16xi32>
      %gather3A_128 = tpu.vector_load_idx %arg6[%mul3A_127] : memref<20480xf32, #tpu.memory_space<vmem>>[vector<16xi32>], vector<16xf32>,
      %add3A_129 = arith.addi %mul3A_127, %broadcast_in_dim3A_25 : vector<16xi32>
      %gather3A_130 = tpu.vector_load_idx %arg6[%add3A_129] : memref<20480xf32, #tpu.memory_space<vmem>>[vector<16xi32>], vector<16xf32>,
      %shift_right_arithmetic3A_131 = arith.shrsi %get3A_126, %broadcast_in_dim3A_27 : vector<16xi32>
      %and3A_132 = arith.andi %get3A_126, %broadcast_in_dim3A_29 : vector<16xi32>
      tpu.vector_store_idx %arg9[%shift_right_arithmetic3A_131, %and3A_132], %gather3A_128 {add = true} : memref<80x128xf32, #tpu.memory_space<vmem>>[vector<16xi32>, vector<16xi32>], vector<16xf32>,
      tpu.vector_store_idx %arg10[%shift_right_arithmetic3A_131, %and3A_132], %gather3A_130 {add = true} : memref<80x128xf32, #tpu.memory_space<vmem>>[vector<16xi32>, vector<16xi32>], vector<16xf32>,
    }
    %while3A_38 = arith.constant 1 : i32
    scf.for %while3A_40 = %while3A_36 to %while3A_32 step %while3A_38  : i32 {
      %get3A = arith.index_cast %while3A_40 : i32 to index
      %get3A_41 = arith.constant 0 : index
      %get3A_42 = tpu.vector_load %arg7[%get3A, %get3A_41] {strides = array<i32>} : memref<88x128xi32, #tpu.memory_space<vmem>>, vector<16xi32>,
      %get3A_43 = arith.index_cast %while3A_40 : i32 to index
      %get3A_44 = arith.constant 0 : index
      %get3A_45 = tpu.vector_load %arg8[%get3A_43, %get3A_44] {strides = array<i32>} : memref<88x128xi32, #tpu.memory_space<vmem>>, vector<16xi32>,
      %mul3A_46 = arith.muli %get3A_42, %broadcast_in_dim3A_23 : vector<16xi32>
      %gather3A = tpu.vector_load_idx %arg6[%mul3A_46] : memref<20480xf32, #tpu.memory_space<vmem>>[vector<16xi32>], vector<16xf32>,
      %add3A_47 = arith.addi %mul3A_46, %broadcast_in_dim3A_25 : vector<16xi32>
      %gather3A_48 = tpu.vector_load_idx %arg6[%add3A_47] : memref<20480xf32, #tpu.memory_space<vmem>>[vector<16xi32>], vector<16xf32>,
      %shift_right_arithmetic3A = arith.shrsi %get3A_45, %broadcast_in_dim3A_27 : vector<16xi32>
      %and3A = arith.andi %get3A_45, %broadcast_in_dim3A_29 : vector<16xi32>
      tpu.vector_store_idx %arg9[%shift_right_arithmetic3A, %and3A], %gather3A {add = true} : memref<80x128xf32, #tpu.memory_space<vmem>>[vector<16xi32>, vector<16xi32>], vector<16xf32>,
      tpu.vector_store_idx %arg10[%shift_right_arithmetic3A, %and3A], %gather3A_48 {add = true} : memref<80x128xf32, #tpu.memory_space<vmem>>[vector<16xi32>, vector<16xi32>], vector<16xf32>,
      %get3A_49 = arith.index_cast %while3A_40 : i32 to index
      %get3A_50 = arith.constant 16 : index
      %get3A_51 = tpu.vector_load %arg7[%get3A_49, %get3A_50] {strides = array<i32>} : memref<88x128xi32, #tpu.memory_space<vmem>>, vector<16xi32>,
      %get3A_52 = arith.index_cast %while3A_40 : i32 to index
      %get3A_53 = arith.constant 16 : index
      %get3A_54 = tpu.vector_load %arg8[%get3A_52, %get3A_53] {strides = array<i32>} : memref<88x128xi32, #tpu.memory_space<vmem>>, vector<16xi32>,
      %mul3A_55 = arith.muli %get3A_51, %broadcast_in_dim3A_23 : vector<16xi32>
      %gather3A_56 = tpu.vector_load_idx %arg6[%mul3A_55] : memref<20480xf32, #tpu.memory_space<vmem>>[vector<16xi32>], vector<16xf32>,
      %add3A_57 = arith.addi %mul3A_55, %broadcast_in_dim3A_25 : vector<16xi32>
      %gather3A_58 = tpu.vector_load_idx %arg6[%add3A_57] : memref<20480xf32, #tpu.memory_space<vmem>>[vector<16xi32>], vector<16xf32>,
      %shift_right_arithmetic3A_59 = arith.shrsi %get3A_54, %broadcast_in_dim3A_27 : vector<16xi32>
      %and3A_60 = arith.andi %get3A_54, %broadcast_in_dim3A_29 : vector<16xi32>
      tpu.vector_store_idx %arg9[%shift_right_arithmetic3A_59, %and3A_60], %gather3A_56 {add = true} : memref<80x128xf32, #tpu.memory_space<vmem>>[vector<16xi32>, vector<16xi32>], vector<16xf32>,
      tpu.vector_store_idx %arg10[%shift_right_arithmetic3A_59, %and3A_60], %gather3A_58 {add = true} : memref<80x128xf32, #tpu.memory_space<vmem>>[vector<16xi32>, vector<16xi32>], vector<16xf32>,
      %get3A_61 = arith.index_cast %while3A_40 : i32 to index
      %get3A_62 = arith.constant 32 : index
      %get3A_63 = tpu.vector_load %arg7[%get3A_61, %get3A_62] {strides = array<i32>} : memref<88x128xi32, #tpu.memory_space<vmem>>, vector<16xi32>,
      %get3A_64 = arith.index_cast %while3A_40 : i32 to index
      %get3A_65 = arith.constant 32 : index
      %get3A_66 = tpu.vector_load %arg8[%get3A_64, %get3A_65] {strides = array<i32>} : memref<88x128xi32, #tpu.memory_space<vmem>>, vector<16xi32>,
      %mul3A_67 = arith.muli %get3A_63, %broadcast_in_dim3A_23 : vector<16xi32>
      %gather3A_68 = tpu.vector_load_idx %arg6[%mul3A_67] : memref<20480xf32, #tpu.memory_space<vmem>>[vector<16xi32>], vector<16xf32>,
      %add3A_69 = arith.addi %mul3A_67, %broadcast_in_dim3A_25 : vector<16xi32>
      %gather3A_70 = tpu.vector_load_idx %arg6[%add3A_69] : memref<20480xf32, #tpu.memory_space<vmem>>[vector<16xi32>], vector<16xf32>,
      %shift_right_arithmetic3A_71 = arith.shrsi %get3A_66, %broadcast_in_dim3A_27 : vector<16xi32>
      %and3A_72 = arith.andi %get3A_66, %broadcast_in_dim3A_29 : vector<16xi32>
      tpu.vector_store_idx %arg9[%shift_right_arithmetic3A_71, %and3A_72], %gather3A_68 {add = true} : memref<80x128xf32, #tpu.memory_space<vmem>>[vector<16xi32>, vector<16xi32>], vector<16xf32>,
      tpu.vector_store_idx %arg10[%shift_right_arithmetic3A_71, %and3A_72], %gather3A_70 {add = true} : memref<80x128xf32, #tpu.memory_space<vmem>>[vector<16xi32>, vector<16xi32>], vector<16xf32>,
      %get3A_73 = arith.index_cast %while3A_40 : i32 to index
      %get3A_74 = arith.constant 48 : index
      %get3A_75 = tpu.vector_load %arg7[%get3A_73, %get3A_74] {strides = array<i32>} : memref<88x128xi32, #tpu.memory_space<vmem>>, vector<16xi32>,
      %get3A_76 = arith.index_cast %while3A_40 : i32 to index
      %get3A_77 = arith.constant 48 : index
      %get3A_78 = tpu.vector_load %arg8[%get3A_76, %get3A_77] {strides = array<i32>} : memref<88x128xi32, #tpu.memory_space<vmem>>, vector<16xi32>,
      %mul3A_79 = arith.muli %get3A_75, %broadcast_in_dim3A_23 : vector<16xi32>
      %gather3A_80 = tpu.vector_load_idx %arg6[%mul3A_79] : memref<20480xf32, #tpu.memory_space<vmem>>[vector<16xi32>], vector<16xf32>,
      %add3A_81 = arith.addi %mul3A_79, %broadcast_in_dim3A_25 : vector<16xi32>
      %gather3A_82 = tpu.vector_load_idx %arg6[%add3A_81] : memref<20480xf32, #tpu.memory_space<vmem>>[vector<16xi32>], vector<16xf32>,
      %shift_right_arithmetic3A_83 = arith.shrsi %get3A_78, %broadcast_in_dim3A_27 : vector<16xi32>
      %and3A_84 = arith.andi %get3A_78, %broadcast_in_dim3A_29 : vector<16xi32>
      tpu.vector_store_idx %arg9[%shift_right_arithmetic3A_83, %and3A_84], %gather3A_80 {add = true} : memref<80x128xf32, #tpu.memory_space<vmem>>[vector<16xi32>, vector<16xi32>], vector<16xf32>,
      tpu.vector_store_idx %arg10[%shift_right_arithmetic3A_83, %and3A_84], %gather3A_82 {add = true} : memref<80x128xf32, #tpu.memory_space<vmem>>[vector<16xi32>, vector<16xi32>], vector<16xf32>,
      %get3A_85 = arith.index_cast %while3A_40 : i32 to index
      %get3A_86 = arith.constant 64 : index
      %get3A_87 = tpu.vector_load %arg7[%get3A_85, %get3A_86] {strides = array<i32>} : memref<88x128xi32, #tpu.memory_space<vmem>>, vector<16xi32>,
      %get3A_88 = arith.index_cast %while3A_40 : i32 to index
      %get3A_89 = arith.constant 64 : index
      %get3A_90 = tpu.vector_load %arg8[%get3A_88, %get3A_89] {strides = array<i32>} : memref<88x128xi32, #tpu.memory_space<vmem>>, vector<16xi32>,
      %mul3A_91 = arith.muli %get3A_87, %broadcast_in_dim3A_23 : vector<16xi32>
      %gather3A_92 = tpu.vector_load_idx %arg6[%mul3A_91] : memref<20480xf32, #tpu.memory_space<vmem>>[vector<16xi32>], vector<16xf32>,
      %add3A_93 = arith.addi %mul3A_91, %broadcast_in_dim3A_25 : vector<16xi32>
      %gather3A_94 = tpu.vector_load_idx %arg6[%add3A_93] : memref<20480xf32, #tpu.memory_space<vmem>>[vector<16xi32>], vector<16xf32>,
      %shift_right_arithmetic3A_95 = arith.shrsi %get3A_90, %broadcast_in_dim3A_27 : vector<16xi32>
      %and3A_96 = arith.andi %get3A_90, %broadcast_in_dim3A_29 : vector<16xi32>
      tpu.vector_store_idx %arg9[%shift_right_arithmetic3A_95, %and3A_96], %gather3A_92 {add = true} : memref<80x128xf32, #tpu.memory_space<vmem>>[vector<16xi32>, vector<16xi32>], vector<16xf32>,
      tpu.vector_store_idx %arg10[%shift_right_arithmetic3A_95, %and3A_96], %gather3A_94 {add = true} : memref<80x128xf32, #tpu.memory_space<vmem>>[vector<16xi32>, vector<16xi32>], vector<16xf32>,
      %get3A_97 = arith.index_cast %while3A_40 : i32 to index
      %get3A_98 = arith.constant 80 : index
      %get3A_99 = tpu.vector_load %arg7[%get3A_97, %get3A_98] {strides = array<i32>} : memref<88x128xi32, #tpu.memory_space<vmem>>, vector<16xi32>,
      %get3A_100 = arith.index_cast %while3A_40 : i32 to index
      %get3A_101 = arith.constant 80 : index
      %get3A_102 = tpu.vector_load %arg8[%get3A_100, %get3A_101] {strides = array<i32>} : memref<88x128xi32, #tpu.memory_space<vmem>>, vector<16xi32>,
      %mul3A_103 = arith.muli %get3A_99, %broadcast_in_dim3A_23 : vector<16xi32>
      %gather3A_104 = tpu.vector_load_idx %arg6[%mul3A_103] : memref<20480xf32, #tpu.memory_space<vmem>>[vector<16xi32>], vector<16xf32>,
      %add3A_105 = arith.addi %mul3A_103, %broadcast_in_dim3A_25 : vector<16xi32>
      %gather3A_106 = tpu.vector_load_idx %arg6[%add3A_105] : memref<20480xf32, #tpu.memory_space<vmem>>[vector<16xi32>], vector<16xf32>,
      %shift_right_arithmetic3A_107 = arith.shrsi %get3A_102, %broadcast_in_dim3A_27 : vector<16xi32>
      %and3A_108 = arith.andi %get3A_102, %broadcast_in_dim3A_29 : vector<16xi32>
      tpu.vector_store_idx %arg9[%shift_right_arithmetic3A_107, %and3A_108], %gather3A_104 {add = true} : memref<80x128xf32, #tpu.memory_space<vmem>>[vector<16xi32>, vector<16xi32>], vector<16xf32>,
      tpu.vector_store_idx %arg10[%shift_right_arithmetic3A_107, %and3A_108], %gather3A_106 {add = true} : memref<80x128xf32, #tpu.memory_space<vmem>>[vector<16xi32>, vector<16xi32>], vector<16xf32>,
      %get3A_109 = arith.index_cast %while3A_40 : i32 to index
      %get3A_110 = arith.constant 96 : index
      %get3A_111 = tpu.vector_load %arg7[%get3A_109, %get3A_110] {strides = array<i32>} : memref<88x128xi32, #tpu.memory_space<vmem>>, vector<16xi32>,
      %get3A_112 = arith.index_cast %while3A_40 : i32 to index
      %get3A_113 = arith.constant 96 : index
      %get3A_114 = tpu.vector_load %arg8[%get3A_112, %get3A_113] {strides = array<i32>} : memref<88x128xi32, #tpu.memory_space<vmem>>, vector<16xi32>,
      %mul3A_115 = arith.muli %get3A_111, %broadcast_in_dim3A_23 : vector<16xi32>
      %gather3A_116 = tpu.vector_load_idx %arg6[%mul3A_115] : memref<20480xf32, #tpu.memory_space<vmem>>[vector<16xi32>], vector<16xf32>,
      %add3A_117 = arith.addi %mul3A_115, %broadcast_in_dim3A_25 : vector<16xi32>
      %gather3A_118 = tpu.vector_load_idx %arg6[%add3A_117] : memref<20480xf32, #tpu.memory_space<vmem>>[vector<16xi32>], vector<16xf32>,
      %shift_right_arithmetic3A_119 = arith.shrsi %get3A_114, %broadcast_in_dim3A_27 : vector<16xi32>
      %and3A_120 = arith.andi %get3A_114, %broadcast_in_dim3A_29 : vector<16xi32>
      tpu.vector_store_idx %arg9[%shift_right_arithmetic3A_119, %and3A_120], %gather3A_116 {add = true} : memref<80x128xf32, #tpu.memory_space<vmem>>[vector<16xi32>, vector<16xi32>], vector<16xf32>,
      tpu.vector_store_idx %arg10[%shift_right_arithmetic3A_119, %and3A_120], %gather3A_118 {add = true} : memref<80x128xf32, #tpu.memory_space<vmem>>[vector<16xi32>, vector<16xi32>], vector<16xf32>,
      %get3A_121 = arith.index_cast %while3A_40 : i32 to index
      %get3A_122 = arith.constant 112 : index
      %get3A_123 = tpu.vector_load %arg7[%get3A_121, %get3A_122] {strides = array<i32>} : memref<88x128xi32, #tpu.memory_space<vmem>>, vector<16xi32>,
      %get3A_124 = arith.index_cast %while3A_40 : i32 to index
      %get3A_125 = arith.constant 112 : index
      %get3A_126 = tpu.vector_load %arg8[%get3A_124, %get3A_125] {strides = array<i32>} : memref<88x128xi32, #tpu.memory_space<vmem>>, vector<16xi32>,
      %mul3A_127 = arith.muli %get3A_123, %broadcast_in_dim3A_23 : vector<16xi32>
      %gather3A_128 = tpu.vector_load_idx %arg6[%mul3A_127] : memref<20480xf32, #tpu.memory_space<vmem>>[vector<16xi32>], vector<16xf32>,
      %add3A_129 = arith.addi %mul3A_127, %broadcast_in_dim3A_25 : vector<16xi32>
      %gather3A_130 = tpu.vector_load_idx %arg6[%add3A_129] : memref<20480xf32, #tpu.memory_space<vmem>>[vector<16xi32>], vector<16xf32>,
      %shift_right_arithmetic3A_131 = arith.shrsi %get3A_126, %broadcast_in_dim3A_27 : vector<16xi32>
      %and3A_132 = arith.andi %get3A_126, %broadcast_in_dim3A_29 : vector<16xi32>
      tpu.vector_store_idx %arg9[%shift_right_arithmetic3A_131, %and3A_132], %gather3A_128 {add = true} : memref<80x128xf32, #tpu.memory_space<vmem>>[vector<16xi32>, vector<16xi32>], vector<16xf32>,
      tpu.vector_store_idx %arg10[%shift_right_arithmetic3A_131, %and3A_132], %gather3A_130 {add = true} : memref<80x128xf32, #tpu.memory_space<vmem>>[vector<16xi32>, vector<16xi32>], vector<16xf32>,
    }
    %run_scoped3A = arith.constant 0 : i32
    "tpu.region"() ({
      %run_scoped3A_40 = tpu.sem_alloc : memref<!tpu.dma_semaphore, #tpu.memory_space<semaphore_mem>>
      %dma_start3A = arith.constant 0 : i32
      %dma_start3A_41 = arith.constant 0 : i32
      %dma_start3A_42 = tpu.memref_slice %arg5[%add3A, %run_scoped3A, %dma_start3A, %dma_start3A_41] : memref<32x2x80x128xf32, #tpu.memory_space<hbm>> -> memref<1x1x80x128xf32, #tpu.memory_space<hbm>>
      %dma_start3A_43 = tpu.memref_squeeze %dma_start3A_42 : memref<1x1x80x128xf32, #tpu.memory_space<hbm>> -> memref<80x128xf32, #tpu.memory_space<hbm>>
      %dma_start3A_44 = arith.constant 0 : i32
      %dma_start3A_45 = arith.constant 0 : i32
      %dma_start3A_46 = tpu.memref_slice %arg5[%add3A, %run_scoped3A, %dma_start3A_44, %dma_start3A_45] : memref<32x2x80x128xf32, #tpu.memory_space<hbm>> -> memref<1x1x80x128xf32, #tpu.memory_space<hbm>>
      %dma_start3A_47 = tpu.memref_squeeze %dma_start3A_46 : memref<1x1x80x128xf32, #tpu.memory_space<hbm>> -> memref<80x128xf32, #tpu.memory_space<hbm>>
      tpu.enqueue_dma source(%arg9 : memref<80x128xf32, #tpu.memory_space<vmem>>) target(%dma_start3A_47 : memref<80x128xf32, #tpu.memory_space<hbm>>) target_semaphore(%run_scoped3A_40 : memref<!tpu.dma_semaphore, #tpu.memory_space<semaphore_mem>>)
      %dma_wait3A = arith.constant 0 : i32
      %dma_wait3A_48 = arith.constant 0 : i32
      %dma_wait3A_49 = tpu.memref_slice %arg5[%add3A, %run_scoped3A, %dma_wait3A, %dma_wait3A_48] : memref<32x2x80x128xf32, #tpu.memory_space<hbm>> -> memref<1x1x80x128xf32, #tpu.memory_space<hbm>>
      %dma_wait3A_50 = tpu.memref_squeeze %dma_wait3A_49 : memref<1x1x80x128xf32, #tpu.memory_space<hbm>> -> memref<80x128xf32, #tpu.memory_space<hbm>>
      %dma_wait3A_51 = arith.constant 0 : i32
      %dma_wait3A_52 = arith.constant 0 : i32
      %dma_wait3A_53 = tpu.memref_slice %arg5[%add3A, %run_scoped3A, %dma_wait3A_51, %dma_wait3A_52] : memref<32x2x80x128xf32, #tpu.memory_space<hbm>> -> memref<1x1x80x128xf32, #tpu.memory_space<hbm>>
      %dma_wait3A_54 = tpu.memref_squeeze %dma_wait3A_53 : memref<1x1x80x128xf32, #tpu.memory_space<hbm>> -> memref<80x128xf32, #tpu.memory_space<hbm>>
      tpu.wait_dma2 semaphore(%run_scoped3A_40 : memref<!tpu.dma_semaphore, #tpu.memory_space<semaphore_mem>>) src(%arg9 : memref<80x128xf32, #tpu.memory_space<vmem>>) dst(%dma_wait3A_54 : memref<80x128xf32, #tpu.memory_space<hbm>>)
      tpu.yield
    }) : () -> ()
    %run_scoped3A_39 = arith.constant 1 : i32
    "tpu.region"() ({
      %run_scoped3A_40 = tpu.sem_alloc : memref<!tpu.dma_semaphore, #tpu.memory_space<semaphore_mem>>
      %dma_start3A = arith.constant 0 : i32
      %dma_start3A_41 = arith.constant 0 : i32
      %dma_start3A_42 = tpu.memref_slice %arg5[%add3A, %run_scoped3A_39, %dma_start3A, %dma_start3A_41] : memref<32x2x80x128xf32, #tpu.memory_space<hbm>> -> memref<1x1x80x128xf32, #tpu.memory_space<hbm>>
      %dma_start3A_43 = tpu.memref_squeeze %dma_start3A_42 : memref<1x1x80x128xf32, #tpu.memory_space<hbm>> -> memref<80x128xf32, #tpu.memory_space<hbm>>
      %dma_start3A_44 = arith.constant 0 : i32
      %dma_start3A_45 = arith.constant 0 : i32
      %dma_start3A_46 = tpu.memref_slice %arg5[%add3A, %run_scoped3A_39, %dma_start3A_44, %dma_start3A_45] : memref<32x2x80x128xf32, #tpu.memory_space<hbm>> -> memref<1x1x80x128xf32, #tpu.memory_space<hbm>>
      %dma_start3A_47 = tpu.memref_squeeze %dma_start3A_46 : memref<1x1x80x128xf32, #tpu.memory_space<hbm>> -> memref<80x128xf32, #tpu.memory_space<hbm>>
      tpu.enqueue_dma source(%arg10 : memref<80x128xf32, #tpu.memory_space<vmem>>) target(%dma_start3A_47 : memref<80x128xf32, #tpu.memory_space<hbm>>) target_semaphore(%run_scoped3A_40 : memref<!tpu.dma_semaphore, #tpu.memory_space<semaphore_mem>>)
      %dma_wait3A = arith.constant 0 : i32
      %dma_wait3A_48 = arith.constant 0 : i32
      %dma_wait3A_49 = tpu.memref_slice %arg5[%add3A, %run_scoped3A_39, %dma_wait3A, %dma_wait3A_48] : memref<32x2x80x128xf32, #tpu.memory_space<hbm>> -> memref<1x1x80x128xf32, #tpu.memory_space<hbm>>
      %dma_wait3A_50 = tpu.memref_squeeze %dma_wait3A_49 : memref<1x1x80x128xf32, #tpu.memory_space<hbm>> -> memref<80x128xf32, #tpu.memory_space<hbm>>
      %dma_wait3A_51 = arith.constant 0 : i32
      %dma_wait3A_52 = arith.constant 0 : i32
      %dma_wait3A_53 = tpu.memref_slice %arg5[%add3A, %run_scoped3A_39, %dma_wait3A_51, %dma_wait3A_52] : memref<32x2x80x128xf32, #tpu.memory_space<hbm>> -> memref<1x1x80x128xf32, #tpu.memory_space<hbm>>
      %dma_wait3A_54 = tpu.memref_squeeze %dma_wait3A_53 : memref<1x1x80x128xf32, #tpu.memory_space<hbm>> -> memref<80x128xf32, #tpu.memory_space<hbm>>
      tpu.wait_dma2 semaphore(%run_scoped3A_40 : memref<!tpu.dma_semaphore, #tpu.memory_space<semaphore_mem>>) src(%arg10 : memref<80x128xf32, #tpu.memory_space<vmem>>) dst(%dma_wait3A_54 : memref<80x128xf32, #tpu.memory_space<hbm>>)
      tpu.yield
    }) : () -> ()
    return
  }
}

module attributes {stable_mosaic.version = 14 : i64} {
  func.func @_dinv_body(%arg0: memref<32x80x128xf32, #tpu.memory_space<vmem>>, %arg1: memref<80x128xf32, #tpu.memory_space<vmem>>) attributes {dimension_semantics = [], scalar_prefetch = 0 : i64, scratch_operands = 0 : i64, tpu.core_type = #tpu.core_type<tc>} {
    %get3A = arith.constant 0 : index
    %get3A_0 = arith.constant 0 : index
    %get3A_1 = arith.constant 0 : index
    %get3A_2 = vector.load %arg0[%get3A, %get3A_0, %get3A_1] : memref<32x80x128xf32, #tpu.memory_space<vmem>>, vector<32x80x128xf32>
    %reduce_sum3A = arith.constant dense<0.000000e+00> : vector<80x128xf32>
    %reduce_sum3A_3 = vector.multi_reduction <add>, %get3A_2, %reduce_sum3A [0] : vector<32x80x128xf32> to vector<80x128xf32>
    %gt3A = arith.constant 0.000000e+00 : f32
    %gt3A_4 = vector.broadcast %gt3A : f32 to vector<80x128xf32>
    %gt3A_5 = arith.cmpf ogt, %reduce_sum3A_3, %gt3A_4 : vector<80x128xf32>
    %rsqrt3A = math.rsqrt %reduce_sum3A_3 : vector<80x128xf32>
    %jit3A = arith.constant 0.000000e+00 : f32
    %broadcast_in_dim3A = vector.broadcast %jit3A : f32 to vector<80x128xf32>
    %select_n3A = arith.select %gt3A_5, %rsqrt3A, %broadcast_in_dim3A : vector<80x128xi1>, vector<80x128xf32>
    %swap3A = arith.constant 0 : index
    %swap3A_6 = arith.constant 0 : index
    %swap3A_7 = vector.load %arg1[%swap3A, %swap3A_6] : memref<80x128xf32, #tpu.memory_space<vmem>>, vector<80x128xf32>
    tpu.vector_store %arg1[%swap3A, %swap3A_6], %select_n3A {strides = array<i32>} : memref<80x128xf32, #tpu.memory_space<vmem>>, vector<80x128xf32>,
    return
  }
}

module attributes {stable_mosaic.version = 14 : i64} {
  func.func @_lambda_(%arg0: i32, %arg1: memref<2048x128xf32, #tpu.memory_space<vmem>>, %arg2: memref<2048x1xf32, #tpu.memory_space<vmem>>, %arg3: memref<128x128xf32, #tpu.memory_space<vmem>>, %arg4: memref<128x128xf32, #tpu.memory_space<vmem>>, %arg5: memref<2048x64xf32, #tpu.memory_space<vmem>>, %arg6: memref<2048x64xf32, #tpu.memory_space<vmem>>, %arg7: memref<1x128xf32, #tpu.memory_space<vmem>>, %arg8: memref<1x128xf32, #tpu.memory_space<vmem>>) attributes {dimension_semantics = [#tpu.dimension_semantics<arbitrary>], iteration_bounds = array<i64: 5>, scalar_prefetch = 0 : i64, scratch_operands = 1 : i64, tpu.core_type = #tpu.core_type<tc>, window_params = [{transform_indices = @transform_0, window_bounds = array<i64: 2048, 128>}, {transform_indices = @transform_1, window_bounds = array<i64: 2048, 1>}, {pipeline_mode = #tpu.pipeline_mode<synchronous>, transform_indices = @transform_2, window_bounds = array<i64: 128, 128>}, {pipeline_mode = #tpu.pipeline_mode<synchronous>, transform_indices = @transform_3, window_bounds = array<i64: 128, 128>}, {transform_indices = @transform_4, window_bounds = array<i64: 2048, 64>}, {transform_indices = @transform_5, window_bounds = array<i64: 2048, 64>}, {pipeline_mode = #tpu.pipeline_mode<synchronous>, transform_indices = @transform_6, window_bounds = array<i64: 1, 128>}]} {
    %get3A = arith.constant 0 : index
    %get3A_0 = arith.constant 0 : index
    %get3A_1 = vector.load %arg1[%get3A, %get3A_0] : memref<2048x128xf32, #tpu.memory_space<vmem>>, vector<2048x128xf32>
    %get3A_2 = arith.constant 0 : index
    %get3A_3 = arith.constant 0 : index
    %get3A_4 = vector.load %arg3[%get3A_2, %get3A_3] : memref<128x128xf32, #tpu.memory_space<vmem>>, vector<128x128xf32>
    %dot_general3A = arith.constant dense<0.000000e+00> : vector<2048x128xf32>
    %dot_general3A_5 = tpu.matmul %get3A_1, %get3A_4, %dot_general3A {dimension_numbers = #tpu.dot_dimension_numbers<[1], [0], [0], [1], [0, 0, 1, 1], [], []>, transpose_lhs_hint = false} : vector<2048x128xf32>, vector<128x128xf32>, vector<2048x128xf32> -> vector<2048x128xf32>
    %get3A_6 = arith.constant 0 : index
    %get3A_7 = arith.constant 0 : index
    %get3A_8 = vector.load %arg2[%get3A_6, %get3A_7] : memref<2048x1xf32, #tpu.memory_space<vmem>>, vector<2048x1xf32>
    %mul3A = vector.broadcast %get3A_8 : vector<2048x1xf32> to vector<2048x128xf32>
    %mul3A_9 = arith.mulf %mul3A, %dot_general3A_5 : vector<2048x128xf32>
    %slice3A = vector.extract_strided_slice %mul3A_9 {offsets = [0, 0], sizes = [2048, 64], strides = [1, 1]} : vector<2048x128xf32> to vector<2048x64xf32>
    %swap3A = arith.constant 0 : index
    %swap3A_10 = arith.constant 0 : index
    %swap3A_11 = vector.load %arg5[%swap3A, %swap3A_10] : memref<2048x64xf32, #tpu.memory_space<vmem>>, vector<2048x64xf32>
    tpu.vector_store %arg5[%swap3A, %swap3A_10], %slice3A {strides = array<i32>} : memref<2048x64xf32, #tpu.memory_space<vmem>>, vector<2048x64xf32>,
    %slice3A_12 = vector.extract_strided_slice %mul3A_9 {offsets = [0, 64], sizes = [2048, 64], strides = [1, 1]} : vector<2048x128xf32> to vector<2048x64xf32>
    %swap3A_13 = arith.constant 0 : index
    %swap3A_14 = arith.constant 0 : index
    %swap3A_15 = vector.load %arg6[%swap3A_13, %swap3A_14] : memref<2048x64xf32, #tpu.memory_space<vmem>>, vector<2048x64xf32>
    tpu.vector_store %arg6[%swap3A_13, %swap3A_14], %slice3A_12 {strides = array<i32>} : memref<2048x64xf32, #tpu.memory_space<vmem>>, vector<2048x64xf32>,
    %reduce_sum3A = arith.constant dense<0.000000e+00> : vector<128xf32>
    %reduce_sum3A_16 = vector.multi_reduction <add>, %get3A_1, %reduce_sum3A [0] : vector<2048x128xf32> to vector<128xf32>
    %broadcast_in_dim3A = vector.shape_cast %reduce_sum3A_16 : vector<128xf32> to vector<1x128xf32>
    %eq3A = arith.constant 0 : i32
    %eq3A_17 = arith.cmpi eq, %arg0, %eq3A : i32
    %convert_element_type3A = arith.extui %eq3A_17 : i1 to i32
    %cond3A = arith.constant 0 : i32
    %cond3A_18 = arith.cmpi ne, %convert_element_type3A, %cond3A : i32
    scf.if %cond3A_18 {
      %swap3A_28 = arith.constant 0 : index
      %swap3A_29 = arith.constant 0 : index
      %swap3A_30 = vector.load %arg8[%swap3A_28, %swap3A_29] : memref<1x128xf32, #tpu.memory_space<vmem>>, vector<1x128xf32>
      tpu.vector_store %arg8[%swap3A_28, %swap3A_29], %broadcast_in_dim3A {strides = array<i32>} : memref<1x128xf32, #tpu.memory_space<vmem>>, vector<1x128xf32>,
    } else {
    }
    %gt3A = arith.constant 0 : i32
    %gt3A_19 = arith.cmpi sgt, %arg0, %gt3A : i32
    %convert_element_type3A_20 = arith.extui %gt3A_19 : i1 to i32
    %cond3A_21 = arith.constant 0 : i32
    %cond3A_22 = arith.cmpi ne, %convert_element_type3A_20, %cond3A_21 : i32
    scf.if %cond3A_22 {
      %get3A_28 = arith.constant 0 : index
      %get3A_29 = arith.constant 0 : index
      %get3A_30 = vector.load %arg8[%get3A_28, %get3A_29] : memref<1x128xf32, #tpu.memory_space<vmem>>, vector<1x128xf32>
      %add3A = arith.addf %get3A_30, %broadcast_in_dim3A : vector<1x128xf32>
      %swap3A_31 = arith.constant 0 : index
      %swap3A_32 = arith.constant 0 : index
      %swap3A_33 = vector.load %arg8[%swap3A_31, %swap3A_32] : memref<1x128xf32, #tpu.memory_space<vmem>>, vector<1x128xf32>
      tpu.vector_store %arg8[%swap3A_31, %swap3A_32], %add3A {strides = array<i32>} : memref<1x128xf32, #tpu.memory_space<vmem>>, vector<1x128xf32>,
    } else {
    }
    %eq3A_23 = arith.constant 4 : i32
    %eq3A_24 = arith.cmpi eq, %arg0, %eq3A_23 : i32
    %convert_element_type3A_25 = arith.extui %eq3A_24 : i1 to i32
    %cond3A_26 = arith.constant 0 : i32
    %cond3A_27 = arith.cmpi ne, %convert_element_type3A_25, %cond3A_26 : i32
    scf.if %cond3A_27 {
      %get3A_28 = arith.constant 0 : index
      %get3A_29 = arith.constant 0 : index
      %get3A_30 = vector.load %arg8[%get3A_28, %get3A_29] : memref<1x128xf32, #tpu.memory_space<vmem>>, vector<1x128xf32>
      %mul3A_31 = arith.constant 9.99999974E-5 : f32
      %mul3A_32 = vector.broadcast %mul3A_31 : f32 to vector<1x128xf32>
      %mul3A_33 = arith.mulf %get3A_30, %mul3A_32 : vector<1x128xf32>
      %get3A_34 = arith.constant 0 : index
      %get3A_35 = arith.constant 0 : index
      %get3A_36 = vector.load %arg4[%get3A_34, %get3A_35] : memref<128x128xf32, #tpu.memory_space<vmem>>, vector<128x128xf32>
      %dot_general3A_37 = arith.constant dense<0.000000e+00> : vector<1x128xf32>
      %dot_general3A_38 = tpu.matmul %mul3A_33, %get3A_36, %dot_general3A_37 {dimension_numbers = #tpu.dot_dimension_numbers<[1], [0], [0], [1], [0, 0, 1, 1], [], []>, transpose_lhs_hint = false} : vector<1x128xf32>, vector<128x128xf32>, vector<1x128xf32> -> vector<1x128xf32>
      %swap3A_39 = arith.constant 0 : index
      %swap3A_40 = arith.constant 0 : index
      %swap3A_41 = vector.load %arg7[%swap3A_39, %swap3A_40] : memref<1x128xf32, #tpu.memory_space<vmem>>, vector<1x128xf32>
      tpu.vector_store %arg7[%swap3A_39, %swap3A_40], %dot_general3A_38 {strides = array<i32>} : memref<1x128xf32, #tpu.memory_space<vmem>>, vector<1x128xf32>,
    } else {
    }
    return
  }
  func.func @transform_0(%arg0: i32) -> (i32, i32) {
    %c0_i32 = arith.constant 0 : i32
    %c0_i32_0 = arith.constant 0 : i32
    return %arg0, %c0_i32 : i32, i32
  }
  func.func @transform_1(%arg0: i32) -> (i32, i32) {
    %c0_i32 = arith.constant 0 : i32
    %c0_i32_0 = arith.constant 0 : i32
    return %arg0, %c0_i32 : i32, i32
  }
  func.func @transform_2(%arg0: i32) -> (i32, i32) {
    %c0_i32 = arith.constant 0 : i32
    %c0_i32_0 = arith.constant 0 : i32
    %c0_i32_1 = arith.constant 0 : i32
    return %c0_i32, %c0_i32_0 : i32, i32
  }
  func.func @transform_3(%arg0: i32) -> (i32, i32) {
    %c0_i32 = arith.constant 0 : i32
    %c0_i32_0 = arith.constant 0 : i32
    %c0_i32_1 = arith.constant 0 : i32
    return %c0_i32, %c0_i32_0 : i32, i32
  }
  func.func @transform_4(%arg0: i32) -> (i32, i32) {
    %c0_i32 = arith.constant 0 : i32
    %c0_i32_0 = arith.constant 0 : i32
    return %arg0, %c0_i32 : i32, i32
  }
  func.func @transform_5(%arg0: i32) -> (i32, i32) {
    %c0_i32 = arith.constant 0 : i32
    %c0_i32_0 = arith.constant 0 : i32
    return %arg0, %c0_i32 : i32, i32
  }
  func.func @transform_6(%arg0: i32) -> (i32, i32) {
    %c0_i32 = arith.constant 0 : i32
    %c0_i32_0 = arith.constant 0 : i32
    %c0_i32_1 = arith.constant 0 : i32
    return %c0_i32, %c0_i32_0 : i32, i32
  }
}

module attributes {stable_mosaic.version = 14 : i64} {
  func.func @_dt_body(%arg0: memref<32x80x128xf32, #tpu.memory_space<vmem>>, %arg1: memref<80x128xf32, #tpu.memory_space<vmem>>, %arg2: memref<80x128xf32, #tpu.memory_space<vmem>>) attributes {dimension_semantics = [], scalar_prefetch = 0 : i64, scratch_operands = 0 : i64, tpu.core_type = #tpu.core_type<tc>} {
    %get3A = arith.constant 0 : index
    %get3A_0 = arith.constant 0 : index
    %get3A_1 = vector.load %arg1[%get3A, %get3A_0] : memref<80x128xf32, #tpu.memory_space<vmem>>, vector<80x128xf32>
    %get3A_2 = arith.constant 0 : index
    %get3A_3 = arith.constant 0 : index
    %get3A_4 = arith.constant 0 : index
    %get3A_5 = vector.load %arg0[%get3A_2, %get3A_3, %get3A_4] : memref<32x80x128xf32, #tpu.memory_space<vmem>>, vector<32x80x128xf32>
    %reduce_sum3A = arith.constant dense<0.000000e+00> : vector<80x128xf32>
    %reduce_sum3A_6 = vector.multi_reduction <add>, %get3A_5, %reduce_sum3A [0] : vector<32x80x128xf32> to vector<80x128xf32>
    %mul3A = arith.mulf %get3A_1, %reduce_sum3A_6 : vector<80x128xf32>
    %swap3A = arith.constant 0 : index
    %swap3A_7 = arith.constant 0 : index
    %swap3A_8 = vector.load %arg2[%swap3A, %swap3A_7] : memref<80x128xf32, #tpu.memory_space<vmem>>, vector<80x128xf32>
    tpu.vector_store %arg2[%swap3A, %swap3A_7], %mul3A {strides = array<i32>} : memref<80x128xf32, #tpu.memory_space<vmem>>, vector<80x128xf32>,
    return
  }
}

module attributes {stable_mosaic.version = 14 : i64} {
  func.func @_h1_body(%arg0: i32, %arg1: memref<2048x64xf32, #tpu.memory_space<vmem>>, %arg2: memref<2048x64xf32, #tpu.memory_space<vmem>>, %arg3: memref<2048x64xf32, #tpu.memory_space<vmem>>, %arg4: memref<2048x64xf32, #tpu.memory_space<vmem>>, %arg5: memref<2048x1xf32, #tpu.memory_space<vmem>>, %arg6: memref<2048x1xf32, #tpu.memory_space<vmem>>, %arg7: memref<1x128xf32, #tpu.memory_space<vmem>>, %arg8: memref<1x128xf32, #tpu.memory_space<vmem>>, %arg9: memref<64x2xf32, #tpu.memory_space<vmem>>, %arg10: memref<64x2xf32, #tpu.memory_space<vmem>>, %arg11: memref<2048x2xf32, #tpu.memory_space<vmem>>) attributes {dimension_semantics = [#tpu.dimension_semantics<arbitrary>], iteration_bounds = array<i64: 5>, scalar_prefetch = 0 : i64, scratch_operands = 0 : i64, tpu.core_type = #tpu.core_type<tc>, window_params = [{transform_indices = @transform_0, window_bounds = array<i64: 2048, 64>}, {transform_indices = @transform_1, window_bounds = array<i64: 2048, 64>}, {transform_indices = @transform_2, window_bounds = array<i64: 2048, 64>}, {transform_indices = @transform_3, window_bounds = array<i64: 2048, 64>}, {transform_indices = @transform_4, window_bounds = array<i64: 2048, 1>}, {transform_indices = @transform_5, window_bounds = array<i64: 2048, 1>}, {pipeline_mode = #tpu.pipeline_mode<synchronous>, transform_indices = @transform_6, window_bounds = array<i64: 1, 128>}, {pipeline_mode = #tpu.pipeline_mode<synchronous>, transform_indices = @transform_7, window_bounds = array<i64: 1, 128>}, {pipeline_mode = #tpu.pipeline_mode<synchronous>, transform_indices = @transform_8, window_bounds = array<i64: 64, 2>}, {pipeline_mode = #tpu.pipeline_mode<synchronous>, transform_indices = @transform_9, window_bounds = array<i64: 64, 2>}, {transform_indices = @transform_10, window_bounds = array<i64: 2048, 2>}]} {
    %get3A = arith.constant 0 : index
    %get3A_0 = arith.constant 0 : index
    %get3A_1 = vector.load %arg5[%get3A, %get3A_0] : memref<2048x1xf32, #tpu.memory_space<vmem>>, vector<2048x1xf32>
    %get3A_2 = arith.constant 0 : index
    %get3A_3 = arith.constant 0 : index
    %get3A_4 = vector.load %arg6[%get3A_2, %get3A_3] : memref<2048x1xf32, #tpu.memory_space<vmem>>, vector<2048x1xf32>
    %get3A_5 = arith.constant 0 : index
    %get3A_6 = arith.constant 0 : index
    %get3A_7 = vector.load %arg7[%get3A_5, %get3A_6] : memref<1x128xf32, #tpu.memory_space<vmem>>, vector<1x128xf32>
    %get3A_8 = arith.constant 0 : index
    %get3A_9 = arith.constant 0 : index
    %get3A_10 = vector.load %arg8[%get3A_8, %get3A_9] : memref<1x128xf32, #tpu.memory_space<vmem>>, vector<1x128xf32>
    %get3A_11 = arith.constant 0 : index
    %get3A_12 = arith.constant 0 : index
    %get3A_13 = vector.load %arg1[%get3A_11, %get3A_12] : memref<2048x64xf32, #tpu.memory_space<vmem>>, vector<2048x64xf32>
    %get3A_14 = arith.constant 0 : index
    %get3A_15 = arith.constant 0 : index
    %get3A_16 = vector.load %arg2[%get3A_14, %get3A_15] : memref<2048x64xf32, #tpu.memory_space<vmem>>, vector<2048x64xf32>
    %add3A = arith.addf %get3A_13, %get3A_16 : vector<2048x64xf32>
    %mul3A = vector.broadcast %get3A_1 : vector<2048x1xf32> to vector<2048x64xf32>
    %mul3A_17 = arith.mulf %mul3A, %add3A : vector<2048x64xf32>
    %slice3A = vector.extract_strided_slice %get3A_7 {offsets = [0, 0], sizes = [1, 64], strides = [1, 1]} : vector<1x128xf32> to vector<1x64xf32>
    %mul3A_18 = vector.broadcast %get3A_4 : vector<2048x1xf32> to vector<2048x64xf32>
    %mul3A_19 = vector.broadcast %slice3A : vector<1x64xf32> to vector<2048x64xf32>
    %mul3A_20 = arith.mulf %mul3A_18, %mul3A_19 : vector<2048x64xf32>
    %add3A_21 = arith.addf %mul3A_17, %mul3A_20 : vector<2048x64xf32>
    %slice3A_22 = vector.extract_strided_slice %get3A_10 {offsets = [0, 0], sizes = [1, 64], strides = [1, 1]} : vector<1x128xf32> to vector<1x64xf32>
    %add3A_23 = vector.broadcast %slice3A_22 : vector<1x64xf32> to vector<2048x64xf32>
    %add3A_24 = arith.addf %add3A_21, %add3A_23 : vector<2048x64xf32>
    %max3A = arith.constant 0.000000e+00 : f32
    %max3A_25 = vector.broadcast %max3A : f32 to vector<2048x64xf32>
    %max3A_26 = arith.maximumf %add3A_24, %max3A_25 : vector<2048x64xf32>
    %get3A_27 = arith.constant 0 : index
    %get3A_28 = arith.constant 0 : index
    %get3A_29 = vector.load %arg3[%get3A_27, %get3A_28] : memref<2048x64xf32, #tpu.memory_space<vmem>>, vector<2048x64xf32>
    %get3A_30 = arith.constant 0 : index
    %get3A_31 = arith.constant 0 : index
    %get3A_32 = vector.load %arg4[%get3A_30, %get3A_31] : memref<2048x64xf32, #tpu.memory_space<vmem>>, vector<2048x64xf32>
    %add3A_33 = arith.addf %get3A_29, %get3A_32 : vector<2048x64xf32>
    %mul3A_34 = vector.broadcast %get3A_1 : vector<2048x1xf32> to vector<2048x64xf32>
    %mul3A_35 = arith.mulf %mul3A_34, %add3A_33 : vector<2048x64xf32>
    %slice3A_36 = vector.extract_strided_slice %get3A_7 {offsets = [0, 64], sizes = [1, 64], strides = [1, 1]} : vector<1x128xf32> to vector<1x64xf32>
    %mul3A_37 = vector.broadcast %get3A_4 : vector<2048x1xf32> to vector<2048x64xf32>
    %mul3A_38 = vector.broadcast %slice3A_36 : vector<1x64xf32> to vector<2048x64xf32>
    %mul3A_39 = arith.mulf %mul3A_37, %mul3A_38 : vector<2048x64xf32>
    %add3A_40 = arith.addf %mul3A_35, %mul3A_39 : vector<2048x64xf32>
    %slice3A_41 = vector.extract_strided_slice %get3A_10 {offsets = [0, 64], sizes = [1, 64], strides = [1, 1]} : vector<1x128xf32> to vector<1x64xf32>
    %add3A_42 = vector.broadcast %slice3A_41 : vector<1x64xf32> to vector<2048x64xf32>
    %add3A_43 = arith.addf %add3A_40, %add3A_42 : vector<2048x64xf32>
    %max3A_44 = arith.constant 0.000000e+00 : f32
    %max3A_45 = vector.broadcast %max3A_44 : f32 to vector<2048x64xf32>
    %max3A_46 = arith.maximumf %add3A_43, %max3A_45 : vector<2048x64xf32>
    %get3A_47 = arith.constant 0 : index
    %get3A_48 = arith.constant 0 : index
    %get3A_49 = vector.load %arg9[%get3A_47, %get3A_48] : memref<64x2xf32, #tpu.memory_space<vmem>>, vector<64x2xf32>
    %dot_general3A = arith.constant dense<0.000000e+00> : vector<2048x2xf32>
    %dot_general3A_50 = tpu.matmul %max3A_26, %get3A_49, %dot_general3A {dimension_numbers = #tpu.dot_dimension_numbers<[1], [0], [0], [1], [0, 0, 1, 1], [], []>, transpose_lhs_hint = false} : vector<2048x64xf32>, vector<64x2xf32>, vector<2048x2xf32> -> vector<2048x2xf32>
    %get3A_51 = arith.constant 0 : index
    %get3A_52 = arith.constant 0 : index
    %get3A_53 = vector.load %arg10[%get3A_51, %get3A_52] : memref<64x2xf32, #tpu.memory_space<vmem>>, vector<64x2xf32>
    %dot_general3A_54 = arith.constant dense<0.000000e+00> : vector<2048x2xf32>
    %dot_general3A_55 = tpu.matmul %max3A_46, %get3A_53, %dot_general3A_54 {dimension_numbers = #tpu.dot_dimension_numbers<[1], [0], [0], [1], [0, 0, 1, 1], [], []>, transpose_lhs_hint = false} : vector<2048x64xf32>, vector<64x2xf32>, vector<2048x2xf32> -> vector<2048x2xf32>
    %add3A_56 = arith.addf %dot_general3A_50, %dot_general3A_55 : vector<2048x2xf32>
    %mul3A_57 = vector.broadcast %get3A_1 : vector<2048x1xf32> to vector<2048x2xf32>
    %mul3A_58 = arith.mulf %mul3A_57, %add3A_56 : vector<2048x2xf32>
    %swap3A = arith.constant 0 : index
    %swap3A_59 = arith.constant 0 : index
    %swap3A_60 = vector.load %arg11[%swap3A, %swap3A_59] : memref<2048x2xf32, #tpu.memory_space<vmem>>, vector<2048x2xf32>
    tpu.vector_store %arg11[%swap3A, %swap3A_59], %mul3A_58 {strides = array<i32>} : memref<2048x2xf32, #tpu.memory_space<vmem>>, vector<2048x2xf32>,
    return
  }
  func.func @transform_0(%arg0: i32) -> (i32, i32) {
    %c0_i32 = arith.constant 0 : i32
    %c0_i32_0 = arith.constant 0 : i32
    return %arg0, %c0_i32 : i32, i32
  }
  func.func @transform_1(%arg0: i32) -> (i32, i32) {
    %c0_i32 = arith.constant 0 : i32
    %c0_i32_0 = arith.constant 0 : i32
    return %arg0, %c0_i32 : i32, i32
  }
  func.func @transform_2(%arg0: i32) -> (i32, i32) {
    %c0_i32 = arith.constant 0 : i32
    %c0_i32_0 = arith.constant 0 : i32
    return %arg0, %c0_i32 : i32, i32
  }
  func.func @transform_3(%arg0: i32) -> (i32, i32) {
    %c0_i32 = arith.constant 0 : i32
    %c0_i32_0 = arith.constant 0 : i32
    return %arg0, %c0_i32 : i32, i32
  }
  func.func @transform_4(%arg0: i32) -> (i32, i32) {
    %c0_i32 = arith.constant 0 : i32
    %c0_i32_0 = arith.constant 0 : i32
    return %arg0, %c0_i32 : i32, i32
  }
  func.func @transform_5(%arg0: i32) -> (i32, i32) {
    %c0_i32 = arith.constant 0 : i32
    %c0_i32_0 = arith.constant 0 : i32
    return %arg0, %c0_i32 : i32, i32
  }
  func.func @transform_6(%arg0: i32) -> (i32, i32) {
    %c0_i32 = arith.constant 0 : i32
    %c0_i32_0 = arith.constant 0 : i32
    %c0_i32_1 = arith.constant 0 : i32
    return %c0_i32, %c0_i32_0 : i32, i32
  }
  func.func @transform_7(%arg0: i32) -> (i32, i32) {
    %c0_i32 = arith.constant 0 : i32
    %c0_i32_0 = arith.constant 0 : i32
    %c0_i32_1 = arith.constant 0 : i32
    return %c0_i32, %c0_i32_0 : i32, i32
  }
  func.func @transform_8(%arg0: i32) -> (i32, i32) {
    %c0_i32 = arith.constant 0 : i32
    %c0_i32_0 = arith.constant 0 : i32
    %c0_i32_1 = arith.constant 0 : i32
    return %c0_i32, %c0_i32_0 : i32, i32
  }
  func.func @transform_9(%arg0: i32) -> (i32, i32) {
    %c0_i32 = arith.constant 0 : i32
    %c0_i32_0 = arith.constant 0 : i32
    %c0_i32_1 = arith.constant 0 : i32
    return %c0_i32, %c0_i32_0 : i32, i32
  }
  func.func @transform_10(%arg0: i32) -> (i32, i32) {
    %c0_i32 = arith.constant 0 : i32
    %c0_i32_0 = arith.constant 0 : i32
    return %arg0, %c0_i32 : i32, i32
  }
}

module attributes {stable_mosaic.version = 14 : i64} {
  func.func @_final_body(%arg0: memref<32x2x80x128xf32, #tpu.memory_space<vmem>>, %arg1: memref<80x128xf32, #tpu.memory_space<vmem>>, %arg2: memref<2x80x128xf32, #tpu.memory_space<vmem>>, %arg3: memref<2x80x128xf32, #tpu.memory_space<vmem>>) attributes {dimension_semantics = [], scalar_prefetch = 0 : i64, scratch_operands = 0 : i64, tpu.core_type = #tpu.core_type<tc>} {
    %get3A = arith.constant 0 : index
    %get3A_0 = arith.constant 0 : index
    %get3A_1 = arith.constant 0 : index
    %get3A_2 = arith.constant 0 : index
    %get3A_3 = vector.load %arg0[%get3A, %get3A_0, %get3A_1, %get3A_2] : memref<32x2x80x128xf32, #tpu.memory_space<vmem>>, vector<32x2x80x128xf32>
    %reduce_sum3A = arith.constant dense<0.000000e+00> : vector<2x80x128xf32>
    %reduce_sum3A_4 = vector.multi_reduction <add>, %get3A_3, %reduce_sum3A [0] : vector<32x2x80x128xf32> to vector<2x80x128xf32>
    %get3A_5 = arith.constant 0 : index
    %get3A_6 = arith.constant 0 : index
    %get3A_7 = vector.load %arg1[%get3A_5, %get3A_6] : memref<80x128xf32, #tpu.memory_space<vmem>>, vector<80x128xf32>
    %broadcast_in_dim3A = vector.shape_cast %get3A_7 : vector<80x128xf32> to vector<1x80x128xf32>
    %mul3A = vector.broadcast %broadcast_in_dim3A : vector<1x80x128xf32> to vector<2x80x128xf32>
    %mul3A_8 = arith.mulf %mul3A, %reduce_sum3A_4 : vector<2x80x128xf32>
    %get3A_9 = arith.constant 0 : index
    %get3A_10 = arith.constant 0 : index
    %get3A_11 = arith.constant 0 : index
    %get3A_12 = vector.load %arg2[%get3A_9, %get3A_10, %get3A_11] : memref<2x80x128xf32, #tpu.memory_space<vmem>>, vector<2x80x128xf32>
    %add3A = arith.addf %mul3A_8, %get3A_12 : vector<2x80x128xf32>
    %swap3A = arith.constant 0 : index
    %swap3A_13 = arith.constant 0 : index
    %swap3A_14 = arith.constant 0 : index
    %swap3A_15 = vector.load %arg3[%swap3A, %swap3A_13, %swap3A_14] : memref<2x80x128xf32, #tpu.memory_space<vmem>>, vector<2x80x128xf32>
    tpu.vector_store %arg3[%swap3A, %swap3A_13, %swap3A_14], %add3A {strides = array<i32>} : memref<2x80x128xf32, #tpu.memory_space<vmem>>, vector<2x80x128xf32>,
    return
  }
}

</mosaic_0001>

<sc_bundles>
// kernel: kernel.10.cloned.1.call-start
scs
__scs_entry_jumppad:
0x0: {  	(pc) =	sbr.rel $0x88, $3  }
0x1: {  	(tag) =	ssettag $0x0;
	lr =	simm.s32 $0x1  }
0x2: {  	[smem:$0x3F9B] =	sst lr;
	_ =	strace $0xD0000000  }
0x3: {  	_ = 	snop  }
0x4: {  	_ = 	snop  }
0x5: {  	_ = 	snop  }
0x6: {  	_ = 	snop  }
0x7: {  	_ = 	snop  }
__scs_overlays_trampoline_lowered:
0x8: {  	[smem:$0x3FAA] =	sst s0  }
0x9: {  	[smem:$0x3FAB] =	sst s1  }
0xa: {  	[smem:$0x3FAC] =	sst s2  }
0xb: {  	[smem:$0x3FAD] =	sst s3  }
0xc: {  	[smem:$0x3FAE] =	sst s4  }
0xd: {  	[smem:$0x3FAF] =	sst s5  }
0xe: {  	[smem:$0x3FB0] =	sst s6  }
0xf: {  	[smem:$0x3FB1] =	sst s7  }
0x10: {  	[smem:$0x3FB2] =	sst s8  }
0x11: {  	[smem:$0x3FB3] =	sst s9;
	s0 =	simm.s32 @!p0 $0x0  }
0x12: {  	s1 =	sld [smem:$0x3F99];
	s0 =	simm.s32 @p0 $0x1  }
0x13: {  	[smem:$0x3FB4] =	sst s0;
	s0 =	simm.s32 @!p1 $0x0  }
0x14: {  	s2 =	sld [smem:$0x3F98];
	s0 =	simm.s32 @p1 $0x1  }
0x15: {  	[smem:$0x3FB5] =	sst s0;
	s0 =	simm.s32 @!p2 $0x0  }
0x16: {  	s3 =	sld [smem:$0x3FDB];
	s0 =	simm.s32 @p2 $0x1  }
0x17: {  	s4 =	simm.s32 $0x1BF5;
	[smem:$0x3FB7] =	sst s0  }
0x18: {  	s0 =	sld [smem:$0x3F9A];
	_ =	swait.ge [sflag:s4], $0x0  }
0x19: {  	s7 =	sld [smem:$0x3F9B]  }
0x1a: {  	s8 =	sadd.s32 $0xFFFFE003, lr  }
0x1b: {  	s9 =	sadd.s32 $0xFFFFFEF7, lr;
	s5 =	simm.s32 $0xFFFFFFFF;
	p2 =	slt.u32 s8, $0xFFFFF086  }
0x1c: {  	p1 =	slt.u32 s9, $0xF7A;
	s5 =	simm.s32 @!p2 $0x0  }
0x1d: {  	s5 =	simm.s32 @p1 $0x1;
	p0 =	seq.s32 s7, s2  }
0x1e: {  	s7 =	smul.u32 @!p0 $0xF7A, s2;
	p2 =	seq.s32 @!p0 s5, $0x0  }
0x1f: {  	s9 =	smul.u32 $0xF7A, s1;
	s8 =	simm.s32 @!p0 $0x1BF5;
	p2 =	por !p2, p0  }
0x20: {  	[sflag:s8] =	ssyncset.s32 @!p0 $0xFFFFF086;
	s6 =	sadd.s32 @!p0 s3, s7;
	s7 =	simm.s32 @!p0 $0x108  }
0x21: {  	s3 =	sadd.s32 s3, s9;
	s6 =	sadd.s32 @!p0 $0x88, s6;
	s7 =	simm.s32 @p2 $0x1082  }
0x22: {  	[simem:s7], [sflag:s8] =	dma.local @!p0 [hbm:s6], $0xF7A  }
0x23: {  	s9 =	sor.u32 $0xD0000000, s2;
	s6 =	simm.s32 $0x108;
	_ =	swait.ge @!p0 [sflag:s8], $0x0  }
0x24: {  	s3 =	sadd.s32 $0x88, s3;
	s6 =	simm.s32 @!p1 $0x1082;
	[sflag:s4] =	ssyncset.s32 $0xFFFFF086  }
0x25: {  	[simem:s6], [sflag:s4] =	dma.local [hbm:s3], $0xF7A  }
0x26: {  	[smem:$0x3F9B] =	sst s1;
	(tag) =	ssettag s2;
	_ =	strace s9  }
0x27: {  	s1 =	sld [smem:$0x3FAB]  }
0x28: {  	s2 =	sld [smem:$0x3FAC]  }
0x29: {  	s4 =	sld [smem:$0x3FAE]  }
0x2a: {  	p0 =	seq.s32 s5, $0x0;
	s5 =	sld [smem:$0x3FAF]  }
0x2b: {  	s6 =	sld [smem:$0x3FB0]  }
0x2c: {  	s7 =	sld [smem:$0x3FB1]  }
0x2d: {  	s3 =	simm.s32 $0x108;
	s8 =	sld [smem:$0x3FB2]  }
0x2e: {  	s3 =	simm.s32 @!p0 $0x1082;
	s9 =	sld [smem:$0x3FB3]  }
0x2f: {  	lr =	sadd.s32 s0, s3;
	s0 =	sld [smem:$0x3FAA]  }
0x30: {  	s3 =	sld [smem:$0x3FAD]  }
0x31: {  	[smem:$0x3FB6] =	sst s10  }
0x32: {  	s10 =	sld [smem:$0x3FB4];
	_ =	sdelay $0x3  }
0x33: {  	p0 =	seq.s32 s10, $0x1;
	s10 =	sld [smem:$0x3FB6];
	_ =	sdelay $0x3  }
0x34: {  	[smem:$0x3FB6] =	sst s10  }
0x35: {  	s10 =	sld [smem:$0x3FB5];
	_ =	sdelay $0x3  }
0x36: {  	p1 =	seq.s32 s10, $0x1;
	s10 =	sld [smem:$0x3FB6];
	_ =	sdelay $0x3  }
0x37: {  	[smem:$0x3FB6] =	sst s10  }
0x38: {  	s10 =	sld [smem:$0x3FB7]  }
0x39: {  	_ = 	snop;
	(pc) =	sbr.ind lr, $3  }
0x3a: {  	_ = 	snop  }
0x3b: {  	_ = 	snop  }
0x3c: {  	p2 =	seq.s32 s10, $0x1;
	s10 =	sld [smem:$0x3FB6]  }
0x3d: {  	_ =	shalt  }
0x3e: {  	_ =	shalt  }
0x3f: {  	_ =	shalt  }
0x40: {  	_ =	shalt  }
0x41: {  	_ =	shalt  }
0x42: {  	_ =	shalt  }
0x43: {  	_ =	shalt  }
0x44: {  	_ =	shalt  }
0x45: {  	_ =	shalt  }
0x46: {  	_ =	shalt  }
0x47: {  	_ =	shalt  }
0x48: {  	_ =	shalt  }
0x49: {  	_ =	shalt  }
0x4a: {  	_ =	shalt  }
0x4b: {  	_ =	shalt  }
0x4c: {  	_ =	shalt  }
0x4d: {  	_ =	shalt  }
0x4e: {  	_ =	shalt  }
0x4f: {  	_ =	shalt  }
0x50: {  	_ =	shalt  }
0x51: {  	_ =	shalt  }
0x52: {  	_ =	shalt  }
0x53: {  	_ =	shalt  }
0x54: {  	_ =	shalt  }
0x55: {  	_ =	shalt  }
0x56: {  	_ =	shalt  }
0x57: {  	_ =	shalt  }
0x58: {  	_ =	shalt  }
0x59: {  	_ =	shalt  }
0x5a: {  	_ =	shalt  }
0x5b: {  	_ =	shalt  }
0x5c: {  	_ =	shalt  }
0x5d: {  	_ =	shalt  }
0x5e: {  	_ =	shalt  }
0x5f: {  	_ =	shalt  }
0x60: {  	_ =	shalt  }
0x61: {  	_ =	shalt  }
0x62: {  	_ =	shalt  }
0x63: {  	_ =	shalt  }
0x64: {  	_ =	shalt  }
0x65: {  	_ =	shalt  }
0x66: {  	_ =	shalt  }
0x67: {  	_ =	shalt  }
0x68: {  	_ =	shalt  }
0x69: {  	_ =	shalt  }
0x6a: {  	_ =	shalt  }
0x6b: {  	_ =	shalt  }
0x6c: {  	_ =	shalt  }
0x6d: {  	_ =	shalt  }
0x6e: {  	_ =	shalt  }
0x6f: {  	_ =	shalt  }
0x70: {  	_ =	shalt  }
0x71: {  	_ =	shalt  }
0x72: {  	_ =	shalt  }
0x73: {  	_ =	shalt  }
0x74: {  	_ =	shalt  }
0x75: {  	_ =	shalt  }
0x76: {  	_ =	shalt  }
0x77: {  	_ =	shalt  }
0x78: {  	_ =	shalt  }
0x79: {  	_ =	shalt  }
0x7a: {  	_ =	shalt  }
0x7b: {  	_ =	shalt  }
0x7c: {  	_ =	shalt  }
0x7d: {  	_ =	shalt  }
0x7e: {  	_ =	shalt  }
0x7f: {  	_ =	shalt  }
0x80: {  	_ =	shalt  }
0x81: {  	_ =	shalt  }
0x82: {  	_ =	shalt  }
0x83: {  	_ =	shalt  }
0x84: {  	_ =	shalt  }
0x85: {  	_ =	shalt  }
0x86: {  	_ =	shalt  }
0x87: {  	_ =	shalt  }
.Lfunc_end0:
.L_simem_size_0:
called_computation_lowered:
.L_overlay_start_0:
0x88: {  	s2 =	sld [smem:$0x3FD9]  }
0x89: {  	s3 =	sld [smem:$0x3FFE];
	_ =	sdelay $0x1  }
0x8a: {  	s1 =	srdreg.scid  }
0x8b: {  	s0 =	sand.u32 $0x1, s1  }
0x8c: {  	s16 =	sshll.u32 s0, $0xA;
	s2 =	sadd.s32 s3, s2  }
0x8d: {  	s2 =	sadd.s32 s2, s16  }
0x8e: {  	[smem:$0x3FC2] =	sst s2  }
0x8f: {  	_ = 	snop  }
0x90: {  	(tm) =	ssettm $0x1  }
0x91: {  	s17 =	sld [smem:$0x3FFB];
	_ =	sdelay $0x3  }
0x92: {  	_ =	strace s17  }
0x93: {  	s2 =	sld [smem:$0x3FFC];
	_ =	sdelay $0x3  }
0x94: {  	_ =	strace s2  }
0x95: {  	s2 =	sld [smem:$0x3FFD];
	_ =	sdelay $0x3  }
0x96: {  	_ =	strace s2  }
0x97: {  	_ =	strace $0x8FFFFFFF  }
0x98: {  	s18 =	sld [smem:$0x3FDB];
	_ =	sdelay $0x1  }
0x99: {  	s19 =	simm.s32 $_scs_section_size  }
0x9a: {  	s4 =	simm.s32 $_size__tile_overlayer_lowered;
	s5 =	simm.s32 $_tile_overlayer_lowered  }
0x9b: {  	s22 =	simm.s32 $0x1BFF;
	s21 =	sshll.u32 s5, $0x1;
	s2 =	sadd.s32 s19, s18  }
0x9c: {  	s6 =	simm.s32 $0x0;
	s20 =	sshll.u32 s4, $0x1;
	s4 =	sadd.s32 s21, s2  }
0x9d: {  	[timem:s6], [sflag:s22] =	dma.local [hbm:s4], s20  }
0x9e: {  	_ =	swait.ge [sflag:s22], s20  }
0x9f: {  	s3 =	ssub.s32 $0x0, s20;
	[sflag:s22] =	ssyncset.done $0x0  }
0xa0: {  	[sflag:s22] =	ssyncadd.s32 s3;
	_ =	sdelay $0x1  }
0xa1: {  	s23 =	simm.s32 $0x1B8B  }
0xa2: {  	_ =	swait.ge [sflag:s23], $0x1  }
0xa3: {  	[sflag:s23] =	ssyncset.done $0x0  }
0xa4: {  	s25 =	simm.s32 $0x1B8E;
	s24 =	sld [smem:$0x3FFE];
	[sflag:s23] =	ssyncadd.s32 $0xFFFFFFFF  }
0xa5: {  	s26 =	simm.s32 $execute0_lowered;
	[smem:$0x3FD2] =	sst s25  }
0xa6: {  	s4 =	sshll.u32 s26, $0x1;
	_ =	strace $0x80000046;
	[dreg:$0x1] =	wrdreg $0xFFFFFFFF  }
0xa7: {  	s28 =	simm.s32 $_size_execute0_lowered;
	s2 =	sadd.s32 s2, s4;
	[dreg:$0x0] =	wrdreg $0x0  }
0xa8: {  	s4 =	sshll.u32 s28, $0x1;
	[dreg:$0x2] =	wrdreg s2  }
0xa9: {  	[dreg:$0x3] =	wrdreg s4  }
0xaa: {  	[dreg:$0x4] =	wrdreg $0xC0  }
0xab: {  	_ =	task [dreg:s6], $0x5FFFF  }
0xac: {  	[dreg:$0x1] =	wrdreg $0xFFFFFFFF  }
0xad: {  	[dreg:$0x0] =	wrdreg $0x60  }
0xae: {  	[dreg:$0x2] =	wrdreg s24  }
0xaf: {  	[dreg:$0x3] =	wrdreg $0x9  }
0xb0: {  	_ =	task.clear_ibuf [dreg:s6], $0x4FFFF;
	_ =	strace $0x90000046  }
0xb1: {  	s29 =	simm.s32 $0x9;
	_ =	strace $0x80000048  }
0xb2: {  	_ =	swait.ge [sflag:s29], $0x1  }
0xb3: {  	[sflag:s29] =	ssyncadd.s32 $0xFFFFFFFF  }
0xb4: {  	_ =	strace $0x90000048  }
0xb5: {  	_ =	sfence  }
0xb6: {  	s30 =	sld [smem:$0x0];
	_ =	sdelay $0x2  }
0xb7: {  	s31 =	sshll.u32 s1, $0xD;
	s1 =	sshrl.u32 s1, $0x2  }
0xb8: {  	s3 =	sand.u32 $0x4000, s31;
	s1 =	sadd.s32 s1, s30  }
0xb9: {  	s0 =	sor.u32 s3, s0;
	s1 =	sshll.u32 s1, $0x11  }
0xba: {  	s0 =	sor.u32 s1, s0  }
0xbb: {  	s0 =	sadd.s32 $0x8F2B, s0  }
0xbc: {  	[sflag:s0] =	ssyncadd.remote.s32 $0x1  }
0xbd: {  	_ =	sfence.sel $0xFFFF  }
0xbe: {  	[dreg:$0x0] =	wrdreg $0xFFFFFFFF;
	(pc) =	sbr.abs _section_cstart, $3  }
0xbf: {  	[dreg:$0x1] =	wrdreg $0xFFFFFFFF  }
0xc0: {  	_ =	task.clear_ibuf [dreg:s6], $0x2FFFF;
	_ =	strace $0x9FFFFFFF  }
0xc1: {  	(tm) =	ssettm $0x7FFFFFFF  }
tec
execute0_lowered:
.L_overlay_start_1:
0x0: {  	(tag) =	ssettag $0x1  }
0x1: {  	s1 =	srdreg.scid  }
0x2: {  	s0 =	stileid.u32;
	s4 =	rddreg [dreg:$0x0];
	s2 =	simm.s32 $0x0  }
0x3: {  	s9 =	simm.s32 $0x0;
	s3 =	sand.u32 $0x1, s1;
	s1 =	rddreg [dreg:$0x1]  }
0x4: {  	s5 =	smul.u32 $0x9D0, s0;
	[smem:$0x7FF] =	sst s2;
	s7 =	sshll.u32 s0, $0x1  }
0x5: {  	s6 =	smul.u32 $0x580, s3;
	_ =	strace $0x80000047;
	s30 =	sor.u32 s3, s7  }
0x6: {  	s31 =	ssub.s32 $0x2, s3;
	p0 =	seq.s32 s3, $0x0;
	s3 =	simm.s32 $0x58  }
0x7: {  	s8 =	sshrl.u32 s31, $0x1;
	s5 =	sadd.s32 s6, s5;
	s6 =	smul.u32 $0x500, s30  }
0x8: {  	s3 =	simm.s32 @!p0 $0x45;
	s7 =	ssub.s32 s31, s8;
	s5 =	sadd.s32 s5, s4  }
0x9: {  	s8 =	simm.s32 $0x2C00;
	s6 =	sadd.s32 s6, s4;
	s4 =	sadd.s32 $0x2E00, s5  }
0xa: {  	v0 =	vimm.f32 $0.0e+00;
	v1 =	vimm.f32 $1.000000000e+00;
	s5 =	sadd.s32 $0xD200, s6;
	s6 =	smax.u32 s7, $0x1;
	s7 =	simm.s32 $0x1  }
.LBB2_1:
0xb: {  	[tilespmem:s2], [sflag:$0x1] =	stream.linear.gather [hbm4b:s4+s2], $0x2C00, $0x38;
	[tilespmem:$0x5400] =	vst v63  }
0xc: {  	_ =	swait.ge [sflag:s7], $0x2C00  }
0xd: {  	[sflag:s7] =	ssyncset.done $0x0  }
0xe: {  	s10 =	simm.s32 $0x2C00;
	s11 =	simm.s32 $0x0;
	[sflag:s7] =	ssyncadd.s32 $0xFFFFD400  }
.LBB2_2:
0xf: {  	p0 =	sne.s32 s11, $0x27F  }
.Ltmp0:
0x10: {  	_ = 	snop;
	(pc) =	sbr.rel @p0 .LBB2_2-.Ltmp0, $2  }
0x11: {  	_ =	sdelay $0x2  }
0x12: {  	[tilespmem:s10+$0x0] =	vst v0;
	s10 =	sadd.s32 $0x10, s10;
	s11 =	sadd.s32 $0x1, s11  }
0x13: {  	s10 =	simm.s32 $0x40;
	s11 =	smov.u32 s3  }
.LBB2_4:
0x14: {  	v2 =	vld [tilespmem:s10+$0xFFFFFFC0];
	_ =	sdelay $0x7  }
0x15: {  	[tilespmem:v2+s8+$0x0] =	vst.idx.add.f32.msk $0xffff, v1  }
0x16: {  	v2 =	vld [tilespmem:s10+$0xFFFFFFD0];
	_ =	sdelay $0x7  }
0x17: {  	[tilespmem:v2+s8+$0x0] =	vst.idx.add.f32.msk $0xffff, v1  }
0x18: {  	v2 =	vld [tilespmem:s10+$0xFFFFFFE0];
	_ =	sdelay $0x7  }
0x19: {  	[tilespmem:v2+s8+$0x0] =	vst.idx.add.f32.msk $0xffff, v1  }
0x1a: {  	v2 =	vld [tilespmem:s10+$0xFFFFFFF0];
	_ =	sdelay $0x7  }
0x1b: {  	[tilespmem:v2+s8+$0x0] =	vst.idx.add.f32.msk $0xffff, v1  }
0x1c: {  	v2 =	vld [tilespmem:s10+$0x0];
	_ =	sdelay $0x7  }
0x1d: {  	[tilespmem:v2+s8+$0x0] =	vst.idx.add.f32.msk $0xffff, v1  }
0x1e: {  	v2 =	vld [tilespmem:s10+$0x10];
	_ =	sdelay $0x7  }
0x1f: {  	[tilespmem:v2+s8+$0x0] =	vst.idx.add.f32.msk $0xffff, v1  }
0x20: {  	v2 =	vld [tilespmem:s10+$0x20];
	_ =	sdelay $0x7  }
0x21: {  	[tilespmem:v2+s8+$0x0] =	vst.idx.add.f32.msk $0xffff, v1  }
0x22: {  	v2 =	vld [tilespmem:s10+$0x30];
	_ =	sdelay $0x2  }
0x23: {  	p0 =	sne.s32 s11, $0x1  }
.Ltmp1:
0x24: {  	_ = 	snop;
	(pc) =	sbr.rel @p0 .LBB2_4-.Ltmp1, $2  }
0x25: {  	_ =	sdelay $0x2  }
0x26: {  	s11 =	sadd.s32 $0xFFFFFFFF, s11;
	s10 =	sadd.s32 $0x80, s10;
	[tilespmem:v2+s8+$0x0] =	vst.idx.add.f32.msk $0xffff, v1  }
0x27: {  	s9 =	sadd.s32 $0x1, s9  }
0x28: {  	p0 =	sne.s32 s9, s6  }
.Ltmp2:
0x29: {  	_ = 	snop;
	(pc) =	sbr.rel @p0 .LBB2_1-.Ltmp2, $4  }
0x2a: {  	[hbm4b:s5+s2] =	stream.linear.scatter [tilespmem:s8], [sflag:$0x1], $0x2800, $0x38;
	[tilespmem:$0x5400] =	vst v63  }
0x2b: {  	_ =	swait.ge [sflag:s7], $0x2800  }
0x2c: {  	[sflag:s7] =	ssyncset.done $0x0  }
0x2d: {  	[sflag:s7] =	ssyncadd.s32 $0xFFFFD800  }
0x2e: {  	_ =	sfence.sel $0x180000  }
0x2f: {  	[bflag:$0x0] =	sbarrier.arrive $0xFFFF  }
0x30: {  	p0 =	sne.s32 s0, $0x0;
	_ =	strace $0x90000047  }
0x31: {  	s0 =	sadd.s32 @!p0 $0x100000, s1;
	[bflag:$0x2] =	sbarrier.arrive $0xFFFF  }
0x32: {  	[sflag:s0] =	ssyncadd.tile.s32 @!p0 $0x1;
	_ =	shalt  }
.Lfunc_end2:
_tile_overlayer_lowered:
.L_overlay_start_2:
0x33: {  	(tag) =	ssettag $0x2  }
0x34: {  	s0 =	rddreg [dreg:$0x0];
	s2 =	stileid.u32  }
0x35: {  	s1 =	rddreg [dreg:$0x1];
	p0 =	sne.s32 s2, $0x0  }
0x36: {  	s3 =	rddreg [dreg:$0x2];
	[bflag:$0x3] =	sbarrier.arrive $0xFFFF;
	s2 =	simm.s32 @!p0 $0x1C01  }
0x37: {  	[timem:s3], [sflag:s2] =	dma.local @!p0 [hbm:s0], s1  }
0x38: {  	s0 =	simm.s32 @!p0 $0x1  }
0x39: {  	_ =	swait.ge @!p0 [sflag:s0], s1  }
0x3a: {  	s1 =	ssub.s32 @!p0 $0x0, s1;
	[sflag:s0] =	ssyncset.done @!p0 $0x0  }
0x3b: {  	[sflag:s0] =	ssyncadd.s32 @!p0 s1  }
0x3c: {  	[bflag:$0x3] =	sbarrier.arrive $0xFFFF  }
0x3d: {  	_ =	shalt  }

// kernel: kernel.13.cloned.1.call-start
scs
__scs_entry_jumppad:
0x0: {  	(pc) =	sbr.rel $0x88, $3  }
0x1: {  	(tag) =	ssettag $0x0;
	lr =	simm.s32 $0x1  }
0x2: {  	[smem:$0x3F9B] =	sst lr;
	_ =	strace $0xD0000000  }
0x3: {  	_ = 	snop  }
0x4: {  	_ = 	snop  }
0x5: {  	_ = 	snop  }
0x6: {  	_ = 	snop  }
0x7: {  	_ = 	snop  }
__scs_overlays_trampoline_lowered:
0x8: {  	[smem:$0x3FAA] =	sst s0  }
0x9: {  	[smem:$0x3FAB] =	sst s1  }
0xa: {  	[smem:$0x3FAC] =	sst s2  }
0xb: {  	[smem:$0x3FAD] =	sst s3  }
0xc: {  	[smem:$0x3FAE] =	sst s4  }
0xd: {  	[smem:$0x3FAF] =	sst s5  }
0xe: {  	[smem:$0x3FB0] =	sst s6  }
0xf: {  	[smem:$0x3FB1] =	sst s7  }
0x10: {  	[smem:$0x3FB2] =	sst s8  }
0x11: {  	[smem:$0x3FB3] =	sst s9;
	s0 =	simm.s32 @!p0 $0x0  }
0x12: {  	s1 =	sld [smem:$0x3F99];
	s0 =	simm.s32 @p0 $0x1  }
0x13: {  	[smem:$0x3FB4] =	sst s0;
	s0 =	simm.s32 @!p1 $0x0  }
0x14: {  	s2 =	sld [smem:$0x3F98];
	s0 =	simm.s32 @p1 $0x1  }
0x15: {  	[smem:$0x3FB5] =	sst s0;
	s0 =	simm.s32 @!p2 $0x0  }
0x16: {  	s3 =	sld [smem:$0x3FDB];
	s0 =	simm.s32 @p2 $0x1  }
0x17: {  	s4 =	simm.s32 $0x1BF5;
	[smem:$0x3FB7] =	sst s0  }
0x18: {  	s0 =	sld [smem:$0x3F9A];
	_ =	swait.ge [sflag:s4], $0x0  }
0x19: {  	s7 =	sld [smem:$0x3F9B]  }
0x1a: {  	s8 =	sadd.s32 $0xFFFFE003, lr  }
0x1b: {  	s9 =	sadd.s32 $0xFFFFFEF7, lr;
	s5 =	simm.s32 $0xFFFFFFFF;
	p2 =	slt.u32 s8, $0xFFFFF086  }
0x1c: {  	p1 =	slt.u32 s9, $0xF7A;
	s5 =	simm.s32 @!p2 $0x0  }
0x1d: {  	s5 =	simm.s32 @p1 $0x1;
	p0 =	seq.s32 s7, s2  }
0x1e: {  	s7 =	smul.u32 @!p0 $0xF7A, s2;
	p2 =	seq.s32 @!p0 s5, $0x0  }
0x1f: {  	s9 =	smul.u32 $0xF7A, s1;
	s8 =	simm.s32 @!p0 $0x1BF5;
	p2 =	por !p2, p0  }
0x20: {  	[sflag:s8] =	ssyncset.s32 @!p0 $0xFFFFF086;
	s6 =	sadd.s32 @!p0 s3, s7;
	s7 =	simm.s32 @!p0 $0x108  }
0x21: {  	s3 =	sadd.s32 s3, s9;
	s6 =	sadd.s32 @!p0 $0x88, s6;
	s7 =	simm.s32 @p2 $0x1082  }
0x22: {  	[simem:s7], [sflag:s8] =	dma.local @!p0 [hbm:s6], $0xF7A  }
0x23: {  	s9 =	sor.u32 $0xD0000000, s2;
	s6 =	simm.s32 $0x108;
	_ =	swait.ge @!p0 [sflag:s8], $0x0  }
0x24: {  	s3 =	sadd.s32 $0x88, s3;
	s6 =	simm.s32 @!p1 $0x1082;
	[sflag:s4] =	ssyncset.s32 $0xFFFFF086  }
0x25: {  	[simem:s6], [sflag:s4] =	dma.local [hbm:s3], $0xF7A  }
0x26: {  	[smem:$0x3F9B] =	sst s1;
	(tag) =	ssettag s2;
	_ =	strace s9  }
0x27: {  	s1 =	sld [smem:$0x3FAB]  }
0x28: {  	s2 =	sld [smem:$0x3FAC]  }
0x29: {  	s4 =	sld [smem:$0x3FAE]  }
0x2a: {  	p0 =	seq.s32 s5, $0x0;
	s5 =	sld [smem:$0x3FAF]  }
0x2b: {  	s6 =	sld [smem:$0x3FB0]  }
0x2c: {  	s7 =	sld [smem:$0x3FB1]  }
0x2d: {  	s3 =	simm.s32 $0x108;
	s8 =	sld [smem:$0x3FB2]  }
0x2e: {  	s3 =	simm.s32 @!p0 $0x1082;
	s9 =	sld [smem:$0x3FB3]  }
0x2f: {  	lr =	sadd.s32 s0, s3;
	s0 =	sld [smem:$0x3FAA]  }
0x30: {  	s3 =	sld [smem:$0x3FAD]  }
0x31: {  	[smem:$0x3FB6] =	sst s10  }
0x32: {  	s10 =	sld [smem:$0x3FB4];
	_ =	sdelay $0x3  }
0x33: {  	p0 =	seq.s32 s10, $0x1;
	s10 =	sld [smem:$0x3FB6];
	_ =	sdelay $0x3  }
0x34: {  	[smem:$0x3FB6] =	sst s10  }
0x35: {  	s10 =	sld [smem:$0x3FB5];
	_ =	sdelay $0x3  }
0x36: {  	p1 =	seq.s32 s10, $0x1;
	s10 =	sld [smem:$0x3FB6];
	_ =	sdelay $0x3  }
0x37: {  	[smem:$0x3FB6] =	sst s10  }
0x38: {  	s10 =	sld [smem:$0x3FB7]  }
0x39: {  	_ = 	snop;
	(pc) =	sbr.ind lr, $3  }
0x3a: {  	_ = 	snop  }
0x3b: {  	_ = 	snop  }
0x3c: {  	p2 =	seq.s32 s10, $0x1;
	s10 =	sld [smem:$0x3FB6]  }
0x3d: {  	_ =	shalt  }
0x3e: {  	_ =	shalt  }
0x3f: {  	_ =	shalt  }
0x40: {  	_ =	shalt  }
0x41: {  	_ =	shalt  }
0x42: {  	_ =	shalt  }
0x43: {  	_ =	shalt  }
0x44: {  	_ =	shalt  }
0x45: {  	_ =	shalt  }
0x46: {  	_ =	shalt  }
0x47: {  	_ =	shalt  }
0x48: {  	_ =	shalt  }
0x49: {  	_ =	shalt  }
0x4a: {  	_ =	shalt  }
0x4b: {  	_ =	shalt  }
0x4c: {  	_ =	shalt  }
0x4d: {  	_ =	shalt  }
0x4e: {  	_ =	shalt  }
0x4f: {  	_ =	shalt  }
0x50: {  	_ =	shalt  }
0x51: {  	_ =	shalt  }
0x52: {  	_ =	shalt  }
0x53: {  	_ =	shalt  }
0x54: {  	_ =	shalt  }
0x55: {  	_ =	shalt  }
0x56: {  	_ =	shalt  }
0x57: {  	_ =	shalt  }
0x58: {  	_ =	shalt  }
0x59: {  	_ =	shalt  }
0x5a: {  	_ =	shalt  }
0x5b: {  	_ =	shalt  }
0x5c: {  	_ =	shalt  }
0x5d: {  	_ =	shalt  }
0x5e: {  	_ =	shalt  }
0x5f: {  	_ =	shalt  }
0x60: {  	_ =	shalt  }
0x61: {  	_ =	shalt  }
0x62: {  	_ =	shalt  }
0x63: {  	_ =	shalt  }
0x64: {  	_ =	shalt  }
0x65: {  	_ =	shalt  }
0x66: {  	_ =	shalt  }
0x67: {  	_ =	shalt  }
0x68: {  	_ =	shalt  }
0x69: {  	_ =	shalt  }
0x6a: {  	_ =	shalt  }
0x6b: {  	_ =	shalt  }
0x6c: {  	_ =	shalt  }
0x6d: {  	_ =	shalt  }
0x6e: {  	_ =	shalt  }
0x6f: {  	_ =	shalt  }
0x70: {  	_ =	shalt  }
0x71: {  	_ =	shalt  }
0x72: {  	_ =	shalt  }
0x73: {  	_ =	shalt  }
0x74: {  	_ =	shalt  }
0x75: {  	_ =	shalt  }
0x76: {  	_ =	shalt  }
0x77: {  	_ =	shalt  }
0x78: {  	_ =	shalt  }
0x79: {  	_ =	shalt  }
0x7a: {  	_ =	shalt  }
0x7b: {  	_ =	shalt  }
0x7c: {  	_ =	shalt  }
0x7d: {  	_ =	shalt  }
0x7e: {  	_ =	shalt  }
0x7f: {  	_ =	shalt  }
0x80: {  	_ =	shalt  }
0x81: {  	_ =	shalt  }
0x82: {  	_ =	shalt  }
0x83: {  	_ =	shalt  }
0x84: {  	_ =	shalt  }
0x85: {  	_ =	shalt  }
0x86: {  	_ =	shalt  }
0x87: {  	_ =	shalt  }
.Lfunc_end0:
.L_simem_size_0:
called_computation.1_lowered:
.L_overlay_start_0:
0x88: {  	s2 =	sld [smem:$0x3FD9]  }
0x89: {  	s3 =	sld [smem:$0x3FFE];
	_ =	sdelay $0x1  }
0x8a: {  	s1 =	srdreg.scid  }
0x8b: {  	s0 =	sand.u32 $0x1, s1  }
0x8c: {  	s17 =	sshll.u32 s0, $0xA;
	s2 =	sadd.s32 s3, s2  }
0x8d: {  	s2 =	sadd.s32 s2, s17  }
0x8e: {  	[smem:$0x3FC2] =	sst s2  }
0x8f: {  	_ = 	snop  }
0x90: {  	s2 =	sld [smem:$0x3FD0];
	(tm) =	ssettm $0x1  }
0x91: {  	s18 =	sld [smem:$0x3FFB];
	_ =	sdelay $0x3  }
0x92: {  	_ =	strace s18  }
0x93: {  	s3 =	sld [smem:$0x3FFC];
	_ =	sdelay $0x3  }
0x94: {  	_ =	strace s3  }
0x95: {  	s3 =	sld [smem:$0x3FFD];
	_ =	sdelay $0x3  }
0x96: {  	_ =	strace s3  }
0x97: {  	_ =	strace $0x8FFFFFFF  }
0x98: {  	s19 =	sld [smem:$0x3FDB];
	_ =	sdelay $0x1  }
0x99: {  	s4 =	simm.s32 $_scs_section_size  }
0x9a: {  	s5 =	simm.s32 $_size__tile_overlayer_lowered;
	s6 =	simm.s32 $_tile_overlayer_lowered  }
0x9b: {  	s22 =	simm.s32 $0x1BFF;
	s21 =	sshll.u32 s6, $0x1;
	s3 =	sadd.s32 s4, s19  }
0x9c: {  	s7 =	simm.s32 $0x0;
	s20 =	sshll.u32 s5, $0x1;
	s5 =	sadd.s32 s21, s3  }
0x9d: {  	[timem:s7], [sflag:s22] =	dma.local [hbm:s5], s20  }
0x9e: {  	_ =	swait.ge [sflag:s22], s20  }
0x9f: {  	s4 =	ssub.s32 $0x0, s20;
	[sflag:s22] =	ssyncset.done $0x0  }
0xa0: {  	[sflag:s22] =	ssyncadd.s32 s4;
	_ =	sdelay $0x1  }
0xa1: {  	s23 =	simm.s32 $0x1B8B  }
0xa2: {  	_ =	swait.ge [sflag:s23], $0x1  }
0xa3: {  	[sflag:s23] =	ssyncset.done $0x0  }
0xa4: {  	s25 =	simm.s32 $0x1B8E;
	s24 =	sld [smem:$0x3FFE];
	[sflag:s23] =	ssyncadd.s32 $0xFFFFFFFF  }
0xa5: {  	s26 =	simm.s32 $execute0_lowered;
	[smem:$0x3FD2] =	sst s25  }
0xa6: {  	s5 =	sshll.u32 s26, $0x1;
	_ =	strace $0x80000049;
	[dreg:$0x1] =	wrdreg $0xFFFFFFFF  }
0xa7: {  	s28 =	simm.s32 $_size_execute0_lowered;
	s3 =	sadd.s32 s3, s5;
	[dreg:$0x0] =	wrdreg $0x0  }
0xa8: {  	s5 =	sshll.u32 s28, $0x1;
	[dreg:$0x2] =	wrdreg s3  }
0xa9: {  	[dreg:$0x3] =	wrdreg s5  }
0xaa: {  	[dreg:$0x4] =	wrdreg $0xC0  }
0xab: {  	_ =	task [dreg:s7], $0x5FFFF  }
0xac: {  	[dreg:$0x1] =	wrdreg $0xFFFFFFFF  }
0xad: {  	[dreg:$0x0] =	wrdreg $0x60  }
0xae: {  	[dreg:$0x2] =	wrdreg s24  }
0xaf: {  	[dreg:$0x3] =	wrdreg s2  }
0xb0: {  	[dreg:$0x4] =	wrdreg $0xC8000  }
0xb1: {  	[dreg:$0x5] =	wrdreg $0x9  }
0xb2: {  	_ =	task.clear_ibuf [dreg:s7], $0x6FFFF;
	_ =	strace $0x90000049  }
0xb3: {  	s29 =	simm.s32 $0x9;
	_ =	strace $0x8000004B  }
0xb4: {  	_ =	swait.ge [sflag:s29], $0x1  }
0xb5: {  	[sflag:s29] =	ssyncadd.s32 $0xFFFFFFFF  }
0xb6: {  	_ =	strace $0x9000004B  }
0xb7: {  	_ =	sfence  }
0xb8: {  	s30 =	sld [smem:$0x0];
	_ =	sdelay $0x2  }
0xb9: {  	s31 =	sshll.u32 s1, $0xD;
	s1 =	sshrl.u32 s1, $0x2  }
0xba: {  	s3 =	sand.u32 $0x4000, s31;
	s1 =	sadd.s32 s1, s30  }
0xbb: {  	s0 =	sor.u32 s3, s0;
	s1 =	sshll.u32 s1, $0x11  }
0xbc: {  	s0 =	sor.u32 s1, s0  }
0xbd: {  	s0 =	sadd.s32 $0x8F2B, s0  }
0xbe: {  	[sflag:s0] =	ssyncadd.remote.s32 $0x1  }
0xbf: {  	_ =	sfence.sel $0xFFFF  }
0xc0: {  	[dreg:$0x0] =	wrdreg $0xFFFFFFFF;
	(pc) =	sbr.abs _section_cstart, $3  }
0xc1: {  	[dreg:$0x1] =	wrdreg $0xFFFFFFFF  }
0xc2: {  	_ =	task.clear_ibuf [dreg:s7], $0x2FFFF;
	_ =	strace $0x9FFFFFFF  }
0xc3: {  	(tm) =	ssettm $0x7FFFFFFF  }
tec
execute0_lowered:
.L_overlay_start_1:
0x0: {  	(tag) =	ssettag $0x1  }
0x1: {  	s9 =	rddreg [dreg:$0x0]  }
0x2: {  	s2 =	rddreg [dreg:$0x1];
	s1 =	srdreg.scid  }
0x3: {  	s0 =	stileid.u32;
	s3 =	rddreg [dreg:$0x2];
	s4 =	simm.s32 $0x0  }
0x4: {  	s17 =	simm.s32 $0x5800;
	s20 =	simm.s32 $0x80;
	s21 =	simm.s32 $0xA800  }
0x5: {  	s22 =	simm.s32 $0x1;
	s23 =	simm.s32 $0x8000;
	s24 =	simm.s32 $0x0  }
0x6: {  	s8 =	sand.u32 $0x1, s1;
	s5 =	smul.u32 $0x9D, s0;
	s1 =	rddreg [dreg:$0x3]  }
0x7: {  	[smem:$0x7FF] =	sst s4;
	s11 =	smul.u32 $0xA000, s0;
	s13 =	sshll.u32 s0, $0x1  }
0x8: {  	s18 =	sshll.u32 s0, $0x6;
	s6 =	smul.u32 $0x58, s8;
	_ =	strace $0x8000004A  }
0x9: {  	s10 =	smul.u32 $0xA0000, s8;
	s13 =	sor.u32 s8, s13;
	s31 =	ssub.s32 $0x2, s8  }
0xa: {  	p0 =	seq.s32 s8, $0x0;
	s8 =	simm.s32 $0x58;
	s18 =	sor.u32 $0x1C02, s18  }
0xb: {  	s30 =	smul.u32 $0x500, s13;
	s15 =	sshrl.u32 s31, $0x1;
	s8 =	simm.s32 @!p0 $0x45  }
0xc: {  	s19 =	sadd.s32 s11, s3;
	s7 =	sadd.s32 s6, s5;
	s5 =	sadd.s32 $0x5D600, s9  }
0xd: {  	s6 =	sadd.s32 $0x49600, s9;
	s10 =	sadd.s32 s11, s10;
	s15 =	ssub.s32 s31, s15  }
0xe: {  	s19 =	sshrl.u32 s19, $0x3;
	s7 =	sshll.u32 s7, $0x4;
	s10 =	sshrl.u32 s10, $0x3  }
0xf: {  	s16 =	sadd.s32 s30, s9;
	s12 =	sadd.s32 s7, s9;
	s7 =	sadd.s32 $0xD200, s9  }
0x10: {  	s14 =	sadd.s32 s10, s9;
	s13 =	sadd.s32 $0xC1600, s16;
	s16 =	simm.s32 $0x2C00  }
0x11: {  	s9 =	sadd.s32 $0x17200, s12;
	s10 =	sadd.s32 $0x2E00, s12;
	s11 =	sadd.s32 $0x99600, s14  }
0x12: {  	v0 =	vimm.f32 $0.0e+00;
	s12 =	sadd.s32 $0x71600, s14;
	s14 =	smax.u32 s15, $0x1;
	s15 =	simm.s32 $0x2  }
.LBB2_1:
0x13: {  	[tilespmem:s4], [sflag:$0x2] =	stream.linear.gather [hbm4b:s9+s4], $0x2C00, $0x38;
	[tilespmem:$0x16800] =	vst v63  }
0x14: {  	_ =	swait.ge [sflag:s15], $0x2C00  }
0x15: {  	[sflag:s15] =	ssyncset.done $0x0  }
0x16: {  	[sflag:s15] =	ssyncadd.s32 $0xFFFFD400  }
0x17: {  	[tilespmem:s16], [sflag:$0x2] =	stream.linear.gather [hbm4b:s10+s4], $0x2C00, $0x38;
	[tilespmem:$0x16800] =	vst v63  }
0x18: {  	_ =	swait.ge [sflag:s15], $0x2C00  }
0x19: {  	[sflag:s15] =	ssyncset.done $0x0  }
0x1a: {  	[sflag:s15] =	ssyncadd.s32 $0xFFFFD400  }
0x1b: {  	[tilespmem:s17], [sflag:$0x2] =	stream.linear.gather [hbm4b:s2+s4], $0x2800, $0x38;
	[tilespmem:$0x16800] =	vst v63  }
0x1c: {  	_ =	swait.ge [sflag:s15], $0x2800  }
0x1d: {  	[sflag:s15] =	ssyncset.done $0x0  }
0x1e: {  	[sflag:s15] =	ssyncadd.s32 $0xFFFFD800  }
0x1f: {  	s25 =	simm.s32 $0x1;
	s26 =	simm.s32 $0x8000;
	[tilespmem:s23+$0x0] =	vst v0  }
.LBB2_2:
0x20: {  	p0 =	sne.s32 s25, $0x27F  }
.Ltmp0:
0x21: {  	_ = 	snop;
	(pc) =	sbr.rel @p0 .LBB2_2-.Ltmp0, $3  }
0x22: {  	_ =	sdelay $0x1  }
0x23: {  	s25 =	sadd.s32 $0x1, s25;
	s26 =	sadd.s32 $0x10, s26  }
0x24: {  	[tilespmem:s26+$0x0] =	vst v0  }
0x25: {  	[spmem:s19], [sflag:s18] =	dma.local [hbm:s7], $0x1400  }
0x26: {  	_ =	swait.ge [sflag:s15], $0x1400  }
0x27: {  	[sflag:s15] =	ssyncset.done $0x0  }
0x28: {  	s25 =	simm.s32 $0x2C00;
	[sflag:s15] =	ssyncadd.s32 $0xFFFFEC00  }
0x29: {  	s26 =	simm.s32 $0x0;
	s28 =	smov.u32 s8;
	[bflag:$0x0] =	sbarrier.arrive $0xFFFF  }
.LBB2_4:
0x2a: {  	[tilespmem:s21], [sflag:$0x1] =	stream.indirect.gather [hbm4b:s5+s20], $0x40, s26, s20, $0xb8;
	[tilespmem:$0x16800] =	vst v63  }
0x2b: {  	_ =	swait.ge [sflag:s22], $0x2000  }
0x2c: {  	[sflag:s22] =	ssyncset.done $0x0  }
0x2d: {  	[sflag:s22] =	ssyncadd.s32 $0xFFFFE000  }
0x2e: {  	[spmem:s3] =	stream.indirect.scatter.add.f32 [tilespmem:s21], [sflag:$0x2], $0x40, s25, s20, $0xb8;
	[tilespmem:$0x16800] =	vst v63  }
0x2f: {  	_ =	swait.ge [sflag:s15], $0x2000  }
0x30: {  	[sflag:s15] =	ssyncset.done $0x0  }
0x31: {  	[sflag:s15] =	ssyncadd.s32 $0xFFFFE000  }
0x32: {  	v1 =	vld [tilespmem:s26+$0x0];
	_ =	sdelay $0x4  }
0x33: {  	v2 =	vld [tilespmem:s25+$0x0];
	_ =	sdelay $0x2  }
0x34: {  	v1 =	vld.idx.msk [tilespmem:v1+s17+$0x0], $0xffff;
	_ =	sdelay $0x4  }
0x35: {  	[tilespmem:v2+s23+$0x0] =	vst.idx.add.f32.msk $0xffff, v1  }
0x36: {  	v1 =	vld [tilespmem:s26+$0x10];
	_ =	sdelay $0x4  }
0x37: {  	v2 =	vld [tilespmem:s25+$0x10];
	_ =	sdelay $0x2  }
0x38: {  	v1 =	vld.idx.msk [tilespmem:v1+s17+$0x0], $0xffff;
	_ =	sdelay $0x4  }
0x39: {  	[tilespmem:v2+s23+$0x0] =	vst.idx.add.f32.msk $0xffff, v1  }
0x3a: {  	v1 =	vld [tilespmem:s26+$0x20];
	_ =	sdelay $0x4  }
0x3b: {  	v2 =	vld [tilespmem:s25+$0x20];
	_ =	sdelay $0x2  }
0x3c: {  	v1 =	vld.idx.msk [tilespmem:v1+s17+$0x0], $0xffff;
	_ =	sdelay $0x4  }
0x3d: {  	[tilespmem:v2+s23+$0x0] =	vst.idx.add.f32.msk $0xffff, v1  }
0x3e: {  	v1 =	vld [tilespmem:s26+$0x30];
	_ =	sdelay $0x4  }
0x3f: {  	v2 =	vld [tilespmem:s25+$0x30];
	_ =	sdelay $0x2  }
0x40: {  	v1 =	vld.idx.msk [tilespmem:v1+s17+$0x0], $0xffff;
	_ =	sdelay $0x4  }
0x41: {  	[tilespmem:v2+s23+$0x0] =	vst.idx.add.f32.msk $0xffff, v1  }
0x42: {  	v1 =	vld [tilespmem:s26+$0x40];
	_ =	sdelay $0x4  }
0x43: {  	v2 =	vld [tilespmem:s25+$0x40];
	_ =	sdelay $0x2  }
0x44: {  	v1 =	vld.idx.msk [tilespmem:v1+s17+$0x0], $0xffff;
	_ =	sdelay $0x4  }
0x45: {  	[tilespmem:v2+s23+$0x0] =	vst.idx.add.f32.msk $0xffff, v1  }
0x46: {  	v1 =	vld [tilespmem:s26+$0x50];
	_ =	sdelay $0x4  }
0x47: {  	v2 =	vld [tilespmem:s25+$0x50];
	_ =	sdelay $0x2  }
0x48: {  	v1 =	vld.idx.msk [tilespmem:v1+s17+$0x0], $0xffff;
	_ =	sdelay $0x4  }
0x49: {  	[tilespmem:v2+s23+$0x0] =	vst.idx.add.f32.msk $0xffff, v1  }
0x4a: {  	v1 =	vld [tilespmem:s26+$0x60];
	_ =	sdelay $0x4  }
0x4b: {  	v2 =	vld [tilespmem:s25+$0x60];
	_ =	sdelay $0x2  }
0x4c: {  	v1 =	vld.idx.msk [tilespmem:v1+s17+$0x0], $0xffff;
	_ =	sdelay $0x4  }
0x4d: {  	[tilespmem:v2+s23+$0x0] =	vst.idx.add.f32.msk $0xffff, v1  }
0x4e: {  	v1 =	vld [tilespmem:s26+$0x70];
	_ =	sdelay $0x4  }
0x4f: {  	v2 =	vld [tilespmem:s25+$0x70];
	_ =	sdelay $0x2  }
0x50: {  	p0 =	sne.s32 s28, $0x1;
	v1 =	vld.idx.msk [tilespmem:v1+s17+$0x0], $0xffff  }
.Ltmp1:
0x51: {  	_ = 	snop;
	(pc) =	sbr.rel @p0 .LBB2_4-.Ltmp1, $2  }
0x52: {  	_ =	sdelay $0x2  }
0x53: {  	s28 =	sadd.s32 $0xFFFFFFFF, s28;
	s25 =	sadd.s32 $0x80, s25;
	s26 =	sadd.s32 $0x80, s26;
	[tilespmem:v2+s23+$0x0] =	vst.idx.add.f32.msk $0xffff, v1  }
0x54: {  	[bflag:$0x0] =	sbarrier.arrive $0xFFFF  }
0x55: {  	[hbm:s11], [sflag:s18] =	dma.local [spmem:s19], $0x1400  }
0x56: {  	_ =	swait.ge [sflag:s15], $0x1400  }
0x57: {  	[sflag:s15] =	ssyncset.done $0x0  }
0x58: {  	[sflag:s15] =	ssyncadd.s32 $0xFFFFEC00  }
0x59: {  	[spmem:s19], [sflag:s18] =	dma.local [hbm:s7], $0x1400  }
0x5a: {  	_ =	swait.ge [sflag:s15], $0x1400  }
0x5b: {  	[sflag:s15] =	ssyncset.done $0x0  }
0x5c: {  	[sflag:s15] =	ssyncadd.s32 $0xFFFFEC00  }
0x5d: {  	s25 =	simm.s32 $0x0;
	[bflag:$0x0] =	sbarrier.arrive $0xFFFF  }
0x5e: {  	[tilespmem:s21], [sflag:$0x1] =	stream.indirect.gather [hbm4b:s6+s20], $0x40, s25, s20, $0xb8;
	[tilespmem:$0x16800] =	vst v63  }
0x5f: {  	p0 =	sne.s32 s8, $0x1;
	_ =	swait.ge [sflag:s22], $0x2000  }
.Ltmp2:
0x60: {  	[sflag:s22] =	ssyncset.done $0x0;
	(pc) =	sbr.rel @!p0 .LBB2_7-.Ltmp2, $4  }
0x61: {  	s26 =	simm.s32 $0x2C00;
	[sflag:s22] =	ssyncadd.s32 $0xFFFFE000  }
0x62: {  	[spmem:s3] =	stream.indirect.scatter.add.f32 [tilespmem:s21], [sflag:$0x2], $0x40, s26, s20, $0xb8;
	[tilespmem:$0x16800] =	vst v63  }
0x63: {  	_ =	swait.ge [sflag:s15], $0x2000  }
0x64: {  	s28 =	sadd.s32 $0xFFFFFFFF, s8;
	[sflag:s15] =	ssyncset.done $0x0  }
.LBB2_6:
0x65: {  	[sflag:s15] =	ssyncadd.s32 $0xFFFFE000;
	s25 =	sadd.s32 $0x80, s25;
	s26 =	sadd.s32 $0x80, s26  }
0x66: {  	[tilespmem:s21], [sflag:$0x1] =	stream.indirect.gather [hbm4b:s6+s20], $0x40, s25, s20, $0xb8;
	[tilespmem:$0x16800] =	vst v63  }
0x67: {  	p0 =	sne.s32 s28, $0x1;
	s28 =	sadd.s32 $0xFFFFFFFF, s28;
	_ =	swait.ge [sflag:s22], $0x2000  }
.Ltmp3:
0x68: {  	[sflag:s22] =	ssyncset.done $0x0;
	(pc) =	sbr.rel @p0 .LBB2_6-.Ltmp3, $4  }
0x69: {  	[sflag:s22] =	ssyncadd.s32 $0xFFFFE000  }
0x6a: {  	[spmem:s3] =	stream.indirect.scatter.add.f32 [tilespmem:s21], [sflag:$0x2], $0x40, s26, s20, $0xb8;
	[tilespmem:$0x16800] =	vst v63  }
0x6b: {  	_ =	swait.ge [sflag:s15], $0x2000  }
0x6c: {  	[sflag:s15] =	ssyncset.done $0x0  }
.LBB2_7:
0x6d: {  	[sflag:s15] =	ssyncadd.s32 $0xFFFFE000  }
0x6e: {  	[bflag:$0x0] =	sbarrier.arrive $0xFFFF  }
0x6f: {  	[hbm:s12], [sflag:s18] =	dma.local [spmem:s19], $0x1400  }
0x70: {  	s24 =	sadd.s32 $0x1, s24;
	_ =	swait.ge [sflag:s15], $0x1400  }
0x71: {  	p0 =	sne.s32 s24, s14;
	[sflag:s15] =	ssyncset.done $0x0  }
.Ltmp4:
0x72: {  	[sflag:s15] =	ssyncadd.s32 $0xFFFFEC00;
	(pc) =	sbr.rel @p0 .LBB2_1-.Ltmp4, $4  }
0x73: {  	[hbm4b:s13+s4] =	stream.linear.scatter [tilespmem:s23], [sflag:$0x2], $0x2800, $0x38;
	[tilespmem:$0x16800] =	vst v63  }
0x74: {  	_ =	swait.ge [sflag:s15], $0x2800  }
0x75: {  	[sflag:s15] =	ssyncset.done $0x0  }
0x76: {  	[sflag:s15] =	ssyncadd.s32 $0xFFFFD800  }
0x77: {  	_ =	sfence.sel $0x180000  }
0x78: {  	[bflag:$0x0] =	sbarrier.arrive $0xFFFF  }
0x79: {  	p0 =	sne.s32 s0, $0x0;
	_ =	strace $0x9000004A  }
0x7a: {  	s0 =	sadd.s32 @!p0 $0x100000, s1;
	[bflag:$0x2] =	sbarrier.arrive $0xFFFF  }
0x7b: {  	[sflag:s0] =	ssyncadd.tile.s32 @!p0 $0x1;
	_ =	shalt  }
.Lfunc_end2:
_tile_overlayer_lowered:
.L_overlay_start_2:
0x7c: {  	(tag) =	ssettag $0x2  }
0x7d: {  	s0 =	rddreg [dreg:$0x0];
	s2 =	stileid.u32  }
0x7e: {  	s1 =	rddreg [dreg:$0x1];
	p0 =	sne.s32 s2, $0x0  }
0x7f: {  	s3 =	rddreg [dreg:$0x2];
	[bflag:$0x3] =	sbarrier.arrive $0xFFFF;
	s2 =	simm.s32 @!p0 $0x1C02  }
0x80: {  	[timem:s3], [sflag:s2] =	dma.local @!p0 [hbm:s0], s1  }
0x81: {  	s0 =	simm.s32 @!p0 $0x2  }
0x82: {  	_ =	swait.ge @!p0 [sflag:s0], s1  }
0x83: {  	s1 =	ssub.s32 @!p0 $0x0, s1;
	[sflag:s0] =	ssyncset.done @!p0 $0x0  }
0x84: {  	[sflag:s0] =	ssyncadd.s32 @!p0 s1  }
0x85: {  	[bflag:$0x3] =	sbarrier.arrive $0xFFFF  }
0x86: {  	_ =	shalt  }

// kernel: kernel.16.cloned.1.call-start
scs
__scs_entry_jumppad:
0x0: {  	(pc) =	sbr.rel $0x88, $3  }
0x1: {  	(tag) =	ssettag $0x0;
	lr =	simm.s32 $0x1  }
0x2: {  	[smem:$0x3F9B] =	sst lr;
	_ =	strace $0xD0000000  }
0x3: {  	_ = 	snop  }
0x4: {  	_ = 	snop  }
0x5: {  	_ = 	snop  }
0x6: {  	_ = 	snop  }
0x7: {  	_ = 	snop  }
__scs_overlays_trampoline_lowered:
0x8: {  	[smem:$0x3FAA] =	sst s0  }
0x9: {  	[smem:$0x3FAB] =	sst s1  }
0xa: {  	[smem:$0x3FAC] =	sst s2  }
0xb: {  	[smem:$0x3FAD] =	sst s3  }
0xc: {  	[smem:$0x3FAE] =	sst s4  }
0xd: {  	[smem:$0x3FAF] =	sst s5  }
0xe: {  	[smem:$0x3FB0] =	sst s6  }
0xf: {  	[smem:$0x3FB1] =	sst s7  }
0x10: {  	[smem:$0x3FB2] =	sst s8  }
0x11: {  	[smem:$0x3FB3] =	sst s9;
	s0 =	simm.s32 @!p0 $0x0  }
0x12: {  	s1 =	sld [smem:$0x3F99];
	s0 =	simm.s32 @p0 $0x1  }
0x13: {  	[smem:$0x3FB4] =	sst s0;
	s0 =	simm.s32 @!p1 $0x0  }
0x14: {  	s2 =	sld [smem:$0x3F98];
	s0 =	simm.s32 @p1 $0x1  }
0x15: {  	[smem:$0x3FB5] =	sst s0;
	s0 =	simm.s32 @!p2 $0x0  }
0x16: {  	s3 =	sld [smem:$0x3FDB];
	s0 =	simm.s32 @p2 $0x1  }
0x17: {  	s4 =	simm.s32 $0x1BF5;
	[smem:$0x3FB7] =	sst s0  }
0x18: {  	s0 =	sld [smem:$0x3F9A];
	_ =	swait.ge [sflag:s4], $0x0  }
0x19: {  	s7 =	sld [smem:$0x3F9B]  }
0x1a: {  	s8 =	sadd.s32 $0xFFFFE003, lr  }
0x1b: {  	s9 =	sadd.s32 $0xFFFFFEF7, lr;
	s5 =	simm.s32 $0xFFFFFFFF;
	p2 =	slt.u32 s8, $0xFFFFF086  }
0x1c: {  	p1 =	slt.u32 s9, $0xF7A;
	s5 =	simm.s32 @!p2 $0x0  }
0x1d: {  	s5 =	simm.s32 @p1 $0x1;
	p0 =	seq.s32 s7, s2  }
0x1e: {  	s7 =	smul.u32 @!p0 $0xF7A, s2;
	p2 =	seq.s32 @!p0 s5, $0x0  }
0x1f: {  	s9 =	smul.u32 $0xF7A, s1;
	s8 =	simm.s32 @!p0 $0x1BF5;
	p2 =	por !p2, p0  }
0x20: {  	[sflag:s8] =	ssyncset.s32 @!p0 $0xFFFFF086;
	s6 =	sadd.s32 @!p0 s3, s7;
	s7 =	simm.s32 @!p0 $0x108  }
0x21: {  	s3 =	sadd.s32 s3, s9;
	s6 =	sadd.s32 @!p0 $0x88, s6;
	s7 =	simm.s32 @p2 $0x1082  }
0x22: {  	[simem:s7], [sflag:s8] =	dma.local @!p0 [hbm:s6], $0xF7A  }
0x23: {  	s9 =	sor.u32 $0xD0000000, s2;
	s6 =	simm.s32 $0x108;
	_ =	swait.ge @!p0 [sflag:s8], $0x0  }
0x24: {  	s3 =	sadd.s32 $0x88, s3;
	s6 =	simm.s32 @!p1 $0x1082;
	[sflag:s4] =	ssyncset.s32 $0xFFFFF086  }
0x25: {  	[simem:s6], [sflag:s4] =	dma.local [hbm:s3], $0xF7A  }
0x26: {  	[smem:$0x3F9B] =	sst s1;
	(tag) =	ssettag s2;
	_ =	strace s9  }
0x27: {  	s1 =	sld [smem:$0x3FAB]  }
0x28: {  	s2 =	sld [smem:$0x3FAC]  }
0x29: {  	s4 =	sld [smem:$0x3FAE]  }
0x2a: {  	p0 =	seq.s32 s5, $0x0;
	s5 =	sld [smem:$0x3FAF]  }
0x2b: {  	s6 =	sld [smem:$0x3FB0]  }
0x2c: {  	s7 =	sld [smem:$0x3FB1]  }
0x2d: {  	s3 =	simm.s32 $0x108;
	s8 =	sld [smem:$0x3FB2]  }
0x2e: {  	s3 =	simm.s32 @!p0 $0x1082;
	s9 =	sld [smem:$0x3FB3]  }
0x2f: {  	lr =	sadd.s32 s0, s3;
	s0 =	sld [smem:$0x3FAA]  }
0x30: {  	s3 =	sld [smem:$0x3FAD]  }
0x31: {  	[smem:$0x3FB6] =	sst s10  }
0x32: {  	s10 =	sld [smem:$0x3FB4];
	_ =	sdelay $0x3  }
0x33: {  	p0 =	seq.s32 s10, $0x1;
	s10 =	sld [smem:$0x3FB6];
	_ =	sdelay $0x3  }
0x34: {  	[smem:$0x3FB6] =	sst s10  }
0x35: {  	s10 =	sld [smem:$0x3FB5];
	_ =	sdelay $0x3  }
0x36: {  	p1 =	seq.s32 s10, $0x1;
	s10 =	sld [smem:$0x3FB6];
	_ =	sdelay $0x3  }
0x37: {  	[smem:$0x3FB6] =	sst s10  }
0x38: {  	s10 =	sld [smem:$0x3FB7]  }
0x39: {  	_ = 	snop;
	(pc) =	sbr.ind lr, $3  }
0x3a: {  	_ = 	snop  }
0x3b: {  	_ = 	snop  }
0x3c: {  	p2 =	seq.s32 s10, $0x1;
	s10 =	sld [smem:$0x3FB6]  }
0x3d: {  	_ =	shalt  }
0x3e: {  	_ =	shalt  }
0x3f: {  	_ =	shalt  }
0x40: {  	_ =	shalt  }
0x41: {  	_ =	shalt  }
0x42: {  	_ =	shalt  }
0x43: {  	_ =	shalt  }
0x44: {  	_ =	shalt  }
0x45: {  	_ =	shalt  }
0x46: {  	_ =	shalt  }
0x47: {  	_ =	shalt  }
0x48: {  	_ =	shalt  }
0x49: {  	_ =	shalt  }
0x4a: {  	_ =	shalt  }
0x4b: {  	_ =	shalt  }
0x4c: {  	_ =	shalt  }
0x4d: {  	_ =	shalt  }
0x4e: {  	_ =	shalt  }
0x4f: {  	_ =	shalt  }
0x50: {  	_ =	shalt  }
0x51: {  	_ =	shalt  }
0x52: {  	_ =	shalt  }
0x53: {  	_ =	shalt  }
0x54: {  	_ =	shalt  }
0x55: {  	_ =	shalt  }
0x56: {  	_ =	shalt  }
0x57: {  	_ =	shalt  }
0x58: {  	_ =	shalt  }
0x59: {  	_ =	shalt  }
0x5a: {  	_ =	shalt  }
0x5b: {  	_ =	shalt  }
0x5c: {  	_ =	shalt  }
0x5d: {  	_ =	shalt  }
0x5e: {  	_ =	shalt  }
0x5f: {  	_ =	shalt  }
0x60: {  	_ =	shalt  }
0x61: {  	_ =	shalt  }
0x62: {  	_ =	shalt  }
0x63: {  	_ =	shalt  }
0x64: {  	_ =	shalt  }
0x65: {  	_ =	shalt  }
0x66: {  	_ =	shalt  }
0x67: {  	_ =	shalt  }
0x68: {  	_ =	shalt  }
0x69: {  	_ =	shalt  }
0x6a: {  	_ =	shalt  }
0x6b: {  	_ =	shalt  }
0x6c: {  	_ =	shalt  }
0x6d: {  	_ =	shalt  }
0x6e: {  	_ =	shalt  }
0x6f: {  	_ =	shalt  }
0x70: {  	_ =	shalt  }
0x71: {  	_ =	shalt  }
0x72: {  	_ =	shalt  }
0x73: {  	_ =	shalt  }
0x74: {  	_ =	shalt  }
0x75: {  	_ =	shalt  }
0x76: {  	_ =	shalt  }
0x77: {  	_ =	shalt  }
0x78: {  	_ =	shalt  }
0x79: {  	_ =	shalt  }
0x7a: {  	_ =	shalt  }
0x7b: {  	_ =	shalt  }
0x7c: {  	_ =	shalt  }
0x7d: {  	_ =	shalt  }
0x7e: {  	_ =	shalt  }
0x7f: {  	_ =	shalt  }
0x80: {  	_ =	shalt  }
0x81: {  	_ =	shalt  }
0x82: {  	_ =	shalt  }
0x83: {  	_ =	shalt  }
0x84: {  	_ =	shalt  }
0x85: {  	_ =	shalt  }
0x86: {  	_ =	shalt  }
0x87: {  	_ =	shalt  }
.Lfunc_end0:
.L_simem_size_0:
called_computation.2_lowered:
.L_overlay_start_0:
0x88: {  	s2 =	sld [smem:$0x3FD9]  }
0x89: {  	s3 =	sld [smem:$0x3FFE];
	_ =	sdelay $0x1  }
0x8a: {  	s1 =	srdreg.scid  }
0x8b: {  	s0 =	sand.u32 $0x1, s1  }
0x8c: {  	s16 =	sshll.u32 s0, $0xA;
	s2 =	sadd.s32 s3, s2  }
0x8d: {  	s2 =	sadd.s32 s2, s16  }
0x8e: {  	[smem:$0x3FC2] =	sst s2  }
0x8f: {  	_ = 	snop  }
0x90: {  	(tm) =	ssettm $0x1  }
0x91: {  	s17 =	sld [smem:$0x3FFB];
	_ =	sdelay $0x3  }
0x92: {  	_ =	strace s17  }
0x93: {  	s2 =	sld [smem:$0x3FFC];
	_ =	sdelay $0x3  }
0x94: {  	_ =	strace s2  }
0x95: {  	s2 =	sld [smem:$0x3FFD];
	_ =	sdelay $0x3  }
0x96: {  	_ =	strace s2  }
0x97: {  	_ =	strace $0x8FFFFFFF  }
0x98: {  	s18 =	sld [smem:$0x3FDB];
	_ =	sdelay $0x1  }
0x99: {  	s19 =	simm.s32 $_scs_section_size  }
0x9a: {  	s4 =	simm.s32 $_size__tile_overlayer_lowered;
	s5 =	simm.s32 $_tile_overlayer_lowered  }
0x9b: {  	s22 =	simm.s32 $0x1BFF;
	s21 =	sshll.u32 s5, $0x1;
	s2 =	sadd.s32 s19, s18  }
0x9c: {  	s6 =	simm.s32 $0x0;
	s20 =	sshll.u32 s4, $0x1;
	s4 =	sadd.s32 s21, s2  }
0x9d: {  	[timem:s6], [sflag:s22] =	dma.local [hbm:s4], s20  }
0x9e: {  	_ =	swait.ge [sflag:s22], s20  }
0x9f: {  	s3 =	ssub.s32 $0x0, s20;
	[sflag:s22] =	ssyncset.done $0x0  }
0xa0: {  	[sflag:s22] =	ssyncadd.s32 s3;
	_ =	sdelay $0x1  }
0xa1: {  	s23 =	simm.s32 $0x1B8B  }
0xa2: {  	_ =	swait.ge [sflag:s23], $0x1  }
0xa3: {  	[sflag:s23] =	ssyncset.done $0x0  }
0xa4: {  	s25 =	simm.s32 $0x1B8E;
	s24 =	sld [smem:$0x3FFE];
	[sflag:s23] =	ssyncadd.s32 $0xFFFFFFFF  }
0xa5: {  	s26 =	simm.s32 $execute0_lowered;
	[smem:$0x3FD2] =	sst s25  }
0xa6: {  	s4 =	sshll.u32 s26, $0x1;
	_ =	strace $0x8000004C;
	[dreg:$0x1] =	wrdreg $0xFFFFFFFF  }
0xa7: {  	s28 =	simm.s32 $_size_execute0_lowered;
	s2 =	sadd.s32 s2, s4;
	[dreg:$0x0] =	wrdreg $0x0  }
0xa8: {  	s4 =	sshll.u32 s28, $0x1;
	[dreg:$0x2] =	wrdreg s2  }
0xa9: {  	[dreg:$0x3] =	wrdreg s4  }
0xaa: {  	[dreg:$0x4] =	wrdreg $0xC0  }
0xab: {  	_ =	task [dreg:s6], $0x5FFFF  }
0xac: {  	[dreg:$0x1] =	wrdreg $0xFFFFFFFF  }
0xad: {  	[dreg:$0x0] =	wrdreg $0x60  }
0xae: {  	[dreg:$0x2] =	wrdreg s24  }
0xaf: {  	[dreg:$0x3] =	wrdreg $0x9  }
0xb0: {  	_ =	task.clear_ibuf [dreg:s6], $0x4FFFF;
	_ =	strace $0x9000004C  }
0xb1: {  	s29 =	simm.s32 $0x9;
	_ =	strace $0x8000004E  }
0xb2: {  	_ =	swait.ge [sflag:s29], $0x1  }
0xb3: {  	[sflag:s29] =	ssyncadd.s32 $0xFFFFFFFF  }
0xb4: {  	_ =	strace $0x9000004E  }
0xb5: {  	_ =	sfence  }
0xb6: {  	s30 =	sld [smem:$0x0];
	_ =	sdelay $0x2  }
0xb7: {  	s31 =	sshll.u32 s1, $0xD;
	s1 =	sshrl.u32 s1, $0x2  }
0xb8: {  	s3 =	sand.u32 $0x4000, s31;
	s1 =	sadd.s32 s1, s30  }
0xb9: {  	s0 =	sor.u32 s3, s0;
	s1 =	sshll.u32 s1, $0x11  }
0xba: {  	s0 =	sor.u32 s1, s0  }
0xbb: {  	s0 =	sadd.s32 $0x8F2B, s0  }
0xbc: {  	[sflag:s0] =	ssyncadd.remote.s32 $0x1  }
0xbd: {  	_ =	sfence.sel $0xFFFF  }
0xbe: {  	[dreg:$0x0] =	wrdreg $0xFFFFFFFF;
	(pc) =	sbr.abs _section_cstart, $3  }
0xbf: {  	[dreg:$0x1] =	wrdreg $0xFFFFFFFF  }
0xc0: {  	_ =	task.clear_ibuf [dreg:s6], $0x2FFFF;
	_ =	strace $0x9FFFFFFF  }
0xc1: {  	(tm) =	ssettm $0x7FFFFFFF  }
tec
execute0_lowered:
.L_overlay_start_1:
0x0: {  	(tag) =	ssettag $0x1  }
0x1: {  	s4 =	rddreg [dreg:$0x0]  }
0x2: {  	s0 =	rddreg [dreg:$0x1];
	s2 =	srdreg.scid  }
0x3: {  	s1 =	stileid.u32;
	s11 =	simm.s32 $0x5000;
	s12 =	simm.s32 $0x7C00  }
0x4: {  	s13 =	simm.s32 $0xA800;
	s14 =	simm.s32 $0xD000;
	s15 =	simm.s32 $0x0  }
0x5: {  	s5 =	sand.u32 $0x1, s2;
	s6 =	smul.u32 $0x9D, s1;
	s3 =	sshll.u32 s1, $0x1  }
0x6: {  	s2 =	simm.s32 $0x0;
	s7 =	smul.u32 $0x58, s5;
	s3 =	sor.u32 s5, s3  }
0x7: {  	[smem:$0x7FF] =	sst s2;
	s30 =	ssub.s32 $0x2, s5;
	s8 =	smul.u32 $0x5000, s3  }
0x8: {  	p0 =	seq.s32 s5, $0x0;
	s3 =	sadd.s32 $0xD200, s4;
	s6 =	sadd.s32 s7, s6  }
0x9: {  	s31 =	sshrl.u32 s30, $0x1;
	s6 =	sshll.u32 s6, $0x4;
	s29 =	sshrl.u32 s8, $0x3  }
0xa: {  	s6 =	sadd.s32 s6, s4;
	s9 =	sadd.s32 s29, s4;
	s4 =	simm.s32 $0x58  }
0xb: {  	_ =	strace $0x8000004D;
	s10 =	ssub.s32 s30, s31;
	s4 =	simm.s32 @!p0 $0x45  }
0xc: {  	s5 =	sadd.s32 $0x17200, s6;
	s6 =	sadd.s32 $0x2E00, s6;
	s7 =	sadd.s32 $0x21600, s9  }
0xd: {  	v0 =	vimm.f32 $0.0e+00;
	s8 =	sadd.s32 $0x21B00, s9;
	s9 =	smax.u32 s10, $0x1;
	s10 =	simm.s32 $0x1  }
.LBB2_1:
0xe: {  	[tilespmem:s2], [sflag:$0x1] =	stream.linear.gather [hbm4b:s3+s2], $0x5000, $0x38;
	[tilespmem:$0xF800] =	vst v63  }
0xf: {  	_ =	swait.ge [sflag:s10], $0x5000  }
0x10: {  	[sflag:s10] =	ssyncset.done $0x0  }
0x11: {  	[sflag:s10] =	ssyncadd.s32 $0xFFFFB000  }
0x12: {  	[tilespmem:s11], [sflag:$0x1] =	stream.linear.gather [hbm4b:s5+s2], $0x2C00, $0x38;
	[tilespmem:$0xF800] =	vst v63  }
0x13: {  	_ =	swait.ge [sflag:s10], $0x2C00  }
0x14: {  	[sflag:s10] =	ssyncset.done $0x0  }
0x15: {  	[sflag:s10] =	ssyncadd.s32 $0xFFFFD400  }
0x16: {  	[tilespmem:s12], [sflag:$0x1] =	stream.linear.gather [hbm4b:s6+s2], $0x2C00, $0x38;
	[tilespmem:$0xF800] =	vst v63  }
0x17: {  	_ =	swait.ge [sflag:s10], $0x2C00  }
0x18: {  	[sflag:s10] =	ssyncset.done $0x0  }
0x19: {  	s16 =	simm.s32 $0xA800;
	s17 =	simm.s32 $0x0;
	[sflag:s10] =	ssyncadd.s32 $0xFFFFD400  }
.LBB2_2:
0x1a: {  	p0 =	sne.s32 s17, $0x27F  }
.Ltmp0:
0x1b: {  	_ = 	snop;
	(pc) =	sbr.rel @p0 .LBB2_2-.Ltmp0, $2  }
0x1c: {  	_ =	sdelay $0x2  }
0x1d: {  	[tilespmem:s16+$0x0] =	vst v0;
	s16 =	sadd.s32 $0x10, s16;
	s17 =	sadd.s32 $0x1, s17  }
0x1e: {  	s16 =	simm.s32 $0x0;
	s17 =	simm.s32 $0xD000  }
.LBB2_4:
0x1f: {  	p0 =	sne.s32 s16, $0x27F  }
.Ltmp1:
0x20: {  	_ = 	snop;
	(pc) =	sbr.rel @p0 .LBB2_4-.Ltmp1, $2  }
0x21: {  	_ =	sdelay $0x2  }
0x22: {  	[tilespmem:s17+$0x0] =	vst v0;
	s17 =	sadd.s32 $0x10, s17;
	s16 =	sadd.s32 $0x1, s16  }
0x23: {  	s16 =	simm.s32 $0x5040;
	s17 =	simm.s32 $0x7C40;
	s18 =	smov.u32 s4  }
.LBB2_6:
0x24: {  	v1 =	vld [tilespmem:s16+$0xFFFFFFC0];
	_ =	sdelay $0x4  }
0x25: {  	v1 =	vshll.u32 v1, $0x1  }
0x26: {  	v2 =	vor.u32 $0x1, v1  }
0x27: {  	v3 =	vld [tilespmem:s17+$0xFFFFFFC0];
	_ =	sdelay $0x2  }
0x28: {  	v1 =	vld.idx.msk [tilespmem:v1+s2+$0x0], $0xffff  }
0x29: {  	v2 =	vld.idx.msk [tilespmem:v2+s2+$0x0], $0xffff;
	_ =	sdelay $0x3  }
0x2a: {  	[tilespmem:v3+s13+$0x0] =	vst.idx.add.f32.msk $0xffff, v1  }
0x2b: {  	[tilespmem:v3+s14+$0x0] =	vst.idx.add.f32.msk $0xffff, v2  }
0x2c: {  	v1 =	vld [tilespmem:s16+$0xFFFFFFD0];
	_ =	sdelay $0x4  }
0x2d: {  	v1 =	vshll.u32 v1, $0x1  }
0x2e: {  	v2 =	vor.u32 $0x1, v1  }
0x2f: {  	v3 =	vld [tilespmem:s17+$0xFFFFFFD0];
	_ =	sdelay $0x2  }
0x30: {  	v1 =	vld.idx.msk [tilespmem:v1+s2+$0x0], $0xffff  }
0x31: {  	v2 =	vld.idx.msk [tilespmem:v2+s2+$0x0], $0xffff;
	_ =	sdelay $0x3  }
0x32: {  	[tilespmem:v3+s13+$0x0] =	vst.idx.add.f32.msk $0xffff, v1  }
0x33: {  	[tilespmem:v3+s14+$0x0] =	vst.idx.add.f32.msk $0xffff, v2  }
0x34: {  	v1 =	vld [tilespmem:s16+$0xFFFFFFE0];
	_ =	sdelay $0x4  }
0x35: {  	v1 =	vshll.u32 v1, $0x1  }
0x36: {  	v2 =	vor.u32 $0x1, v1  }
0x37: {  	v3 =	vld [tilespmem:s17+$0xFFFFFFE0];
	_ =	sdelay $0x2  }
0x38: {  	v1 =	vld.idx.msk [tilespmem:v1+s2+$0x0], $0xffff  }
0x39: {  	v2 =	vld.idx.msk [tilespmem:v2+s2+$0x0], $0xffff;
	_ =	sdelay $0x3  }
0x3a: {  	[tilespmem:v3+s13+$0x0] =	vst.idx.add.f32.msk $0xffff, v1  }
0x3b: {  	[tilespmem:v3+s14+$0x0] =	vst.idx.add.f32.msk $0xffff, v2  }
0x3c: {  	v1 =	vld [tilespmem:s16+$0xFFFFFFF0];
	_ =	sdelay $0x4  }
0x3d: {  	v1 =	vshll.u32 v1, $0x1  }
0x3e: {  	v2 =	vor.u32 $0x1, v1  }
0x3f: {  	v3 =	vld [tilespmem:s17+$0xFFFFFFF0];
	_ =	sdelay $0x2  }
0x40: {  	v1 =	vld.idx.msk [tilespmem:v1+s2+$0x0], $0xffff  }
0x41: {  	v2 =	vld.idx.msk [tilespmem:v2+s2+$0x0], $0xffff;
	_ =	sdelay $0x3  }
0x42: {  	[tilespmem:v3+s13+$0x0] =	vst.idx.add.f32.msk $0xffff, v1  }
0x43: {  	[tilespmem:v3+s14+$0x0] =	vst.idx.add.f32.msk $0xffff, v2  }
0x44: {  	v1 =	vld [tilespmem:s16+$0x0];
	_ =	sdelay $0x4  }
0x45: {  	v1 =	vshll.u32 v1, $0x1  }
0x46: {  	v2 =	vor.u32 $0x1, v1  }
0x47: {  	v3 =	vld [tilespmem:s17+$0x0];
	_ =	sdelay $0x2  }
0x48: {  	v1 =	vld.idx.msk [tilespmem:v1+s2+$0x0], $0xffff  }
0x49: {  	v2 =	vld.idx.msk [tilespmem:v2+s2+$0x0], $0xffff;
	_ =	sdelay $0x3  }
0x4a: {  	[tilespmem:v3+s13+$0x0] =	vst.idx.add.f32.msk $0xffff, v1  }
0x4b: {  	[tilespmem:v3+s14+$0x0] =	vst.idx.add.f32.msk $0xffff, v2  }
0x4c: {  	v1 =	vld [tilespmem:s16+$0x10];
	_ =	sdelay $0x4  }
0x4d: {  	v1 =	vshll.u32 v1, $0x1  }
0x4e: {  	v2 =	vor.u32 $0x1, v1  }
0x4f: {  	v3 =	vld [tilespmem:s17+$0x10];
	_ =	sdelay $0x2  }
0x50: {  	v1 =	vld.idx.msk [tilespmem:v1+s2+$0x0], $0xffff  }
0x51: {  	v2 =	vld.idx.msk [tilespmem:v2+s2+$0x0], $0xffff;
	_ =	sdelay $0x3  }
0x52: {  	[tilespmem:v3+s13+$0x0] =	vst.idx.add.f32.msk $0xffff, v1  }
0x53: {  	[tilespmem:v3+s14+$0x0] =	vst.idx.add.f32.msk $0xffff, v2  }
0x54: {  	v1 =	vld [tilespmem:s16+$0x20];
	_ =	sdelay $0x4  }
0x55: {  	v1 =	vshll.u32 v1, $0x1  }
0x56: {  	v2 =	vor.u32 $0x1, v1  }
0x57: {  	v3 =	vld [tilespmem:s17+$0x20];
	_ =	sdelay $0x2  }
0x58: {  	v1 =	vld.idx.msk [tilespmem:v1+s2+$0x0], $0xffff  }
0x59: {  	v2 =	vld.idx.msk [tilespmem:v2+s2+$0x0], $0xffff;
	_ =	sdelay $0x3  }
0x5a: {  	[tilespmem:v3+s13+$0x0] =	vst.idx.add.f32.msk $0xffff, v1  }
0x5b: {  	[tilespmem:v3+s14+$0x0] =	vst.idx.add.f32.msk $0xffff, v2  }
0x5c: {  	v1 =	vld [tilespmem:s16+$0x30];
	_ =	sdelay $0x4  }
0x5d: {  	v1 =	vshll.u32 v1, $0x1  }
0x5e: {  	v2 =	vor.u32 $0x1, v1  }
0x5f: {  	v3 =	vld [tilespmem:s17+$0x30];
	_ =	sdelay $0x2  }
0x60: {  	v1 =	vld.idx.msk [tilespmem:v1+s2+$0x0], $0xffff  }
0x61: {  	p0 =	sne.s32 s18, $0x1;
	v2 =	vld.idx.msk [tilespmem:v2+s2+$0x0], $0xffff  }
.Ltmp2:
0x62: {  	_ = 	snop;
	(pc) =	sbr.rel @p0 .LBB2_6-.Ltmp2, $3  }
0x63: {  	_ =	sdelay $0x1  }
0x64: {  	[tilespmem:v3+s13+$0x0] =	vst.idx.add.f32.msk $0xffff, v1  }
0x65: {  	s18 =	sadd.s32 $0xFFFFFFFF, s18;
	s16 =	sadd.s32 $0x80, s16;
	s17 =	sadd.s32 $0x80, s17;
	[tilespmem:v3+s14+$0x0] =	vst.idx.add.f32.msk $0xffff, v2  }
0x66: {  	[hbm4b:s7+s2] =	stream.linear.scatter [tilespmem:s13], [sflag:$0x1], $0x2800, $0x38;
	[tilespmem:$0xF800] =	vst v63  }
0x67: {  	s15 =	sadd.s32 $0x1, s15;
	_ =	swait.ge [sflag:s10], $0x2800  }
0x68: {  	p0 =	sne.s32 s15, s9;
	[sflag:s10] =	ssyncset.done $0x0  }
.Ltmp3:
0x69: {  	[sflag:s10] =	ssyncadd.s32 $0xFFFFD800;
	(pc) =	sbr.rel @p0 .LBB2_1-.Ltmp3, $4  }
0x6a: {  	[hbm4b:s8+s2] =	stream.linear.scatter [tilespmem:s14], [sflag:$0x1], $0x2800, $0x38;
	[tilespmem:$0xF800] =	vst v63  }
0x6b: {  	_ =	swait.ge [sflag:s10], $0x2800  }
0x6c: {  	[sflag:s10] =	ssyncset.done $0x0  }
0x6d: {  	[sflag:s10] =	ssyncadd.s32 $0xFFFFD800  }
0x6e: {  	_ =	sfence.sel $0x180000  }
0x6f: {  	[bflag:$0x0] =	sbarrier.arrive $0xFFFF  }
0x70: {  	p0 =	sne.s32 s1, $0x0;
	_ =	strace $0x9000004D  }
0x71: {  	s0 =	sadd.s32 @!p0 $0x100000, s0;
	[bflag:$0x2] =	sbarrier.arrive $0xFFFF  }
0x72: {  	[sflag:s0] =	ssyncadd.tile.s32 @!p0 $0x1;
	_ =	shalt  }
.Lfunc_end2:
_tile_overlayer_lowered:
.L_overlay_start_2:
0x73: {  	(tag) =	ssettag $0x2  }
0x74: {  	s0 =	rddreg [dreg:$0x0];
	s2 =	stileid.u32  }
0x75: {  	s1 =	rddreg [dreg:$0x1];
	p0 =	sne.s32 s2, $0x0  }
0x76: {  	s3 =	rddreg [dreg:$0x2];
	[bflag:$0x3] =	sbarrier.arrive $0xFFFF;
	s2 =	simm.s32 @!p0 $0x1C01  }
0x77: {  	[timem:s3], [sflag:s2] =	dma.local @!p0 [hbm:s0], s1  }
0x78: {  	s0 =	simm.s32 @!p0 $0x1  }
0x79: {  	_ =	swait.ge @!p0 [sflag:s0], s1  }
0x7a: {  	s1 =	ssub.s32 @!p0 $0x0, s1;
	[sflag:s0] =	ssyncset.done @!p0 $0x0  }
0x7b: {  	[sflag:s0] =	ssyncadd.s32 @!p0 s1  }
0x7c: {  	[bflag:$0x3] =	sbarrier.arrive $0xFFFF  }
0x7d: {  	_ =	shalt  }

</sc_bundles>
